<compile_context>
chip_gen: v7x
topology: tpu7x:2x2x1
jax: 0.10.2.dev20260603
libtpu: 0.0.44.dev20260713+nightly
codegen_flags: <defaults>
</compile_context>

<pallas_src>
import functools
import jax
import jax.numpy as jnp
from jax import lax
from jax.experimental import pallas as pl
from jax.experimental.pallas import tpu as pltpu
from jax.experimental.pallas import tpu_sc as plsc

B, L = 4096, 200
NUCL_DIM, SPEC_DIM = 128, 32
OUT_DIM = NUCL_DIM + 2 * SPEC_DIM
QUAD_DIM = 4 * OUT_DIM
NQUAD = B * (L // 4)
TBL = 2560

NC, NS = 2, 16
NW = NC * NS
ROWS_PER_W = NQUAD // NW
CH = 64
NCH = ROWS_PER_W // CH


def _prep_body(x_ref, pbs_ref, rt_ref, nucl_ref, pbst_ref, rtt_ref,
               qidx_ref, tbl_ref):
    p = (pbs_ref[...] > 0.5).astype(jnp.int32)
    r = (rt_ref[...] > 0.5).astype(jnp.int32)
    q = p * 2 + r

    m = lax.broadcasted_iota(jnp.int32, (B, L), 1) % 4
    w = jnp.where(m == 0, 500.0,
                  jnp.where(m == 1, 100.0,
                            jnp.where(m == 2, 20.0, 4.0)))
    y = x_ref[...].astype(jnp.float32) * w
    li = lax.broadcasted_iota(jnp.int32, (L, L // 4), 0)
    ji = lax.broadcasted_iota(jnp.int32, (L, L // 4), 1)
    s = (li // 4 == ji).astype(jnp.float32)
    acc = lax.dot_general(y, s, (((1,), (0,)), ((), ())),
                          precision=lax.Precision.HIGHEST,
                          preferred_element_type=jnp.float32)
    qidx_ref[...] = acc.astype(jnp.int32) + q

    c = lax.broadcasted_iota(jnp.int32, (TBL, NUCL_DIM), 0)
    xs = [c // 500, (c // 100) % 5, (c // 20) % 5, (c // 4) % 5]
    ns = []
    for k in range(4):
        n = jnp.zeros((TBL, NUCL_DIM), jnp.float32)
        for v in range(5):
            n = jnp.where(xs[k] == v, nucl_ref[v, :][None, :], n)
        ns.append(n)
    cs = lax.broadcasted_iota(jnp.int32, (TBL, SPEC_DIM), 0)
    pb = jnp.where((cs % 4) // 2 == 1, pbst_ref[1, :][None, :],
                   pbst_ref[0, :][None, :])
    rb = jnp.where(cs % 2 == 1, rtt_ref[1, :][None, :],
                   rtt_ref[0, :][None, :])
    tbl_ref[...] = jnp.concatenate(
        [ns[0], pb, rb, ns[1], pb, rb, ns[2], pb, rb, ns[3], pb, rb], axis=1)


def _prep(x_seq, pbs_feat, rt_feat, nucl_table, pbs_table, rt_table):
    return pl.pallas_call(
        _prep_body,
        in_specs=[
            pl.BlockSpec((B, L), lambda: (0, 0)),
            pl.BlockSpec((B, 1), lambda: (0, 0)),
            pl.BlockSpec((B, 1), lambda: (0, 0)),
            pl.BlockSpec((5, NUCL_DIM), lambda: (0, 0)),
            pl.BlockSpec((2, SPEC_DIM), lambda: (0, 0)),
            pl.BlockSpec((2, SPEC_DIM), lambda: (0, 0)),
        ],
        out_specs=[
            pl.BlockSpec((B, L // 4), lambda: (0, 0)),
            pl.BlockSpec((TBL, QUAD_DIM), lambda: (0, 0)),
        ],
        out_shape=[
            jax.ShapeDtypeStruct((B, L // 4), jnp.int32),
            jax.ShapeDtypeStruct((TBL, QUAD_DIM), jnp.float32),
        ],
    )(x_seq, pbs_feat.reshape(B, 1), rt_feat.reshape(B, 1),
      nucl_table, pbs_table, rt_table)


@functools.partial(
    pl.kernel,
    out_type=jax.ShapeDtypeStruct((NQUAD, QUAD_DIM), jnp.float32),
    mesh=plsc.VectorSubcoreMesh(core_axis_name="c", subcore_axis_name="s"),
    scratch_types=[
        pltpu.VMEM((NCH, CH), jnp.int32),
        pltpu.VMEM((CH, QUAD_DIM), jnp.float32),
        pltpu.VMEM((CH, QUAD_DIM), jnp.float32),
        pltpu.SemaphoreType.DMA,
        pltpu.SemaphoreType.DMA,
        pltpu.SemaphoreType.DMA,
        pltpu.SemaphoreType.DMA,
    ],
)
def _sc_gather(qidx_hbm, tbl_hbm, out_hbm,
               idx_all, buf_a, buf_b, gs_a, gs_b, ws_a, ws_b):
    wid = lax.axis_index("s") * NC + lax.axis_index("c")
    base0 = wid * ROWS_PER_W
    pltpu.sync_copy(qidx_hbm.at[wid], idx_all)

    bufs = (buf_a, buf_b)
    gsems = (gs_a, gs_b)
    wsems = (ws_a, ws_b)

    def g_start(i, b):
        pltpu.async_copy(tbl_hbm.at[idx_all.at[i]], bufs[b], gsems[b])

    def g_wait(b):
        pltpu.make_async_copy(tbl_hbm.at[idx_all.at[0]], bufs[b],
                              gsems[b]).wait()

    def w_start(i, b):
        pltpu.async_copy(bufs[b], out_hbm.at[pl.ds(base0 + i * CH, CH)],
                         wsems[b])

    def w_wait(b):
        pltpu.make_async_copy(bufs[b], out_hbm.at[pl.ds(0, CH)],
                              wsems[b]).wait()

    g_start(0, 0)
    g_wait(0)
    g_start(1, 1)
    w_start(0, 0)

    def body(j, carry):
        for b in (1, 0):
            i = 2 * j + (1 if b == 1 else 2)
            g_wait(b)
            w_wait(1 - b)
            g_start(i + 1, 1 - b)
            w_start(i, b)
        return carry

    lax.fori_loop(0, (NCH - 2) // 2, body, 0)

    g_wait(1)
    w_start(NCH - 1, 1)
    w_wait(0)
    w_wait(1)


@jax.jit
def kernel(x_seq, pbs_feat, rt_feat, nucl_table, pbs_table, rt_table):
    qidx, tbl = _prep(x_seq, pbs_feat, rt_feat,
                      nucl_table, pbs_table, rt_table)
    out = _sc_gather(qidx.reshape(NW, NCH, CH), tbl)
    return out.reshape(B, L, OUT_DIM)

# --- scband reference (transcript-rebuilt; emitter-appended) ---
"""Pipeline reference for scband-annot-embedder-44787918963250 (READ-ONLY COPY).

The authoritative reference and input builder live on the scoring server;
editing this copy changes nothing except your own understanding.
"""

import jax, jax.numpy as jnp
import numpy as np

B, L = 4096, 200
NUCL_DIM, SPEC_DIM = 128, 32

def setup_inputs(seed: int = 0) -> dict:
    key = jax.random.key(seed)
    k1, k2, k3, k4, k5, k6 = jax.random.split(key, 6)
    x_seq = jax.random.randint(k1, (B, L), 0, 5, dtype=jnp.int32)
    pbs_feat = jax.random.uniform(k2, (B,), dtype=jnp.float32)
    rt_feat = jax.random.uniform(k3, (B,), dtype=jnp.float32)
    nucl_table = jax.random.normal(k4, (5, NUCL_DIM), dtype=jnp.float32)
    # padding_idx=4 row is initialized to zero in torch nn.Embedding
    nucl_table = nucl_table.at[4].set(0.0)
    pbs_table = jax.random.normal(k5, (2, SPEC_DIM), dtype=jnp.float32)
    rt_table = jax.random.normal(k6, (2, SPEC_DIM), dtype=jnp.float32)
    return {"x_seq": x_seq, "pbs_feat": pbs_feat, "rt_feat": rt_feat,
            "nucl_table": nucl_table, "pbs_table": pbs_table, "rt_table": rt_table}

def reference(x_seq, pbs_feat, rt_feat, nucl_table, pbs_table, rt_table):
    b, l = x_seq.shape
    nucl_emb = jnp.take(nucl_table, x_seq, axis=0)                      # [B, L, 128]
    pbs_idx = (pbs_feat > 0.5).astype(jnp.int32)                        # [B]
    rt_idx = (rt_feat > 0.5).astype(jnp.int32)                          # [B]
    pbs_emb = jnp.take(pbs_table, pbs_idx, axis=0)[:, None, :]          # [B, 1, 32]
    pbs_emb = jnp.broadcast_to(pbs_emb, (b, l, pbs_table.shape[1]))     # [B, L, 32]
    rt_emb = jnp.take(rt_table, rt_idx, axis=0)[:, None, :]
    rt_emb = jnp.broadcast_to(rt_emb, (b, l, rt_table.shape[1]))
    return jnp.concatenate([nucl_emb, pbs_emb, rt_emb], axis=-1)        # [B, L, 192]

if __name__ == "__main__":
    import jax
    _d = setup_inputs()
    print(jax.jit(kernel)(*tuple(_d.values())))

</pallas_src>

<mosaic_0001>
#map = affine_map<(d0, d1) -> (0, 0, 0)>
#map1 = affine_map<(d0, d1) -> (0, 0)>
module attributes {stable_mosaic.version = 14 : i64} {
  func.func @_sc_gather(%arg0: i32, %arg1: i32, %arg2: memref<32x100x64xi32, #tpu.memory_space<hbm>>, %arg3: memref<2560x768xf32, #tpu.memory_space<hbm>>, %arg4: memref<204800x768xf32, #tpu.memory_space<hbm>>, %arg5: memref<100x64xi32, #tpu.memory_space<vmem>>, %arg6: memref<64x768xf32, #tpu.memory_space<vmem>>, %arg7: memref<64x768xf32, #tpu.memory_space<vmem>>, %arg8: memref<!tpu.dma_semaphore, #tpu.memory_space<semaphore_mem>>, %arg9: memref<!tpu.dma_semaphore, #tpu.memory_space<semaphore_mem>>, %arg10: memref<!tpu.dma_semaphore, #tpu.memory_space<semaphore_mem>>, %arg11: memref<!tpu.dma_semaphore, #tpu.memory_space<semaphore_mem>>) attributes {dimension_semantics = [#tpu.dimension_semantics<core_parallel>, #tpu.dimension_semantics<subcore_parallel>], iteration_bounds = array<i64: 2, 16>, scalar_prefetch = 0 : i64, scratch_operands = 7 : i64, tpu.core_type = #tpu.core_type<sc_vector_subcore>, window_params = [{transform_indices = #map}, {transform_indices = #map1}, {transform_indices = #map1}]} {
    %mul3A = arith.constant 2 : i32
    %mul3A_0 = arith.muli %arg1, %mul3A : i32
    %add3A = arith.addi %mul3A_0, %arg0 : i32
    %mul3A_1 = arith.constant 6400 : i32
    %mul3A_2 = arith.muli %add3A, %mul3A_1 : i32
    "tpu.region"() ({
      %run_scoped3A = tpu.sem_alloc : memref<!tpu.dma_semaphore, #tpu.memory_space<semaphore_mem>>
      %dma_start3A_58 = arith.constant 0 : i32
      %dma_start3A_59 = arith.constant 0 : i32
      %dma_start3A_60 = tpu.memref_slice %arg2[%add3A, %dma_start3A_58, %dma_start3A_59] : memref<32x100x64xi32, #tpu.memory_space<hbm>> -> memref<1x100x64xi32, #tpu.memory_space<hbm>>
      %dma_start3A_61 = tpu.memref_squeeze %dma_start3A_60 : memref<1x100x64xi32, #tpu.memory_space<hbm>> -> memref<100x64xi32, #tpu.memory_space<hbm>>
      %dma_start3A_62 = arith.constant 0 : i32
      %dma_start3A_63 = arith.constant 0 : i32
      %dma_start3A_64 = tpu.memref_slice %arg2[%add3A, %dma_start3A_62, %dma_start3A_63] : memref<32x100x64xi32, #tpu.memory_space<hbm>> -> memref<1x100x64xi32, #tpu.memory_space<hbm>>
      %dma_start3A_65 = tpu.memref_squeeze %dma_start3A_64 : memref<1x100x64xi32, #tpu.memory_space<hbm>> -> memref<100x64xi32, #tpu.memory_space<hbm>>
      tpu.enqueue_dma source(%dma_start3A_65 : memref<100x64xi32, #tpu.memory_space<hbm>>) target(%arg5 : memref<100x64xi32, #tpu.memory_space<vmem>>) target_semaphore(%run_scoped3A : memref<!tpu.dma_semaphore, #tpu.memory_space<semaphore_mem>>)
      %dma_wait3A_66 = arith.constant 0 : i32
      %dma_wait3A_67 = arith.constant 0 : i32
      %dma_wait3A_68 = tpu.memref_slice %arg2[%add3A, %dma_wait3A_66, %dma_wait3A_67] : memref<32x100x64xi32, #tpu.memory_space<hbm>> -> memref<1x100x64xi32, #tpu.memory_space<hbm>>
      %dma_wait3A_69 = tpu.memref_squeeze %dma_wait3A_68 : memref<1x100x64xi32, #tpu.memory_space<hbm>> -> memref<100x64xi32, #tpu.memory_space<hbm>>
      %dma_wait3A_70 = arith.constant 0 : i32
      %dma_wait3A_71 = arith.constant 0 : i32
      %dma_wait3A_72 = tpu.memref_slice %arg2[%add3A, %dma_wait3A_70, %dma_wait3A_71] : memref<32x100x64xi32, #tpu.memory_space<hbm>> -> memref<1x100x64xi32, #tpu.memory_space<hbm>>
      %dma_wait3A_73 = tpu.memref_squeeze %dma_wait3A_72 : memref<1x100x64xi32, #tpu.memory_space<hbm>> -> memref<100x64xi32, #tpu.memory_space<hbm>>
      tpu.wait_dma2 semaphore(%run_scoped3A : memref<!tpu.dma_semaphore, #tpu.memory_space<semaphore_mem>>) src(%dma_wait3A_73 : memref<100x64xi32, #tpu.memory_space<hbm>>) dst(%arg5 : memref<100x64xi32, #tpu.memory_space<vmem>>)
      tpu.yield
    }) : () -> ()
    %dma_start3A = arith.constant 0 : i32
    %dma_start3A_3 = arith.constant 0 : i32
    %dma_start3A_4 = tpu.memref_slice %arg5[%dma_start3A, %dma_start3A_3] : memref<100x64xi32, #tpu.memory_space<vmem>> -> memref<1x64xi32, #tpu.memory_space<vmem>>
    %dma_start3A_5 = tpu.memref_squeeze %dma_start3A_4 : memref<1x64xi32, #tpu.memory_space<vmem>> -> memref<64xi32, #tpu.memory_space<vmem>>
    %dma_start3A_6 = arith.constant 0 : i32
    %dma_start3A_7 = arith.constant 0 : i32
    %dma_start3A_8 = tpu.memref_slice %arg3[%dma_start3A_6, %dma_start3A_7] : memref<2560x768xf32, #tpu.memory_space<hbm>> -> memref<2560x768xf32, #tpu.memory_space<hbm>>
    tpu.enqueue_indirect_dma source(%dma_start3A_8 : memref<2560x768xf32, #tpu.memory_space<hbm>>) target(%arg6 : memref<64x768xf32, #tpu.memory_space<vmem>>) offsets(%dma_start3A_5 : memref<64xi32, #tpu.memory_space<vmem>>) semaphore(%arg8 : memref<!tpu.dma_semaphore, #tpu.memory_space<semaphore_mem>>)
    %dma_wait3A = arith.constant 0 : i32
    %dma_wait3A_9 = arith.constant 0 : i32
    %dma_wait3A_10 = tpu.memref_slice %arg5[%dma_wait3A, %dma_wait3A_9] : memref<100x64xi32, #tpu.memory_space<vmem>> -> memref<1x64xi32, #tpu.memory_space<vmem>>
    %dma_wait3A_11 = tpu.memref_squeeze %dma_wait3A_10 : memref<1x64xi32, #tpu.memory_space<vmem>> -> memref<64xi32, #tpu.memory_space<vmem>>
    %dma_wait3A_12 = arith.constant 0 : i32
    %dma_wait3A_13 = arith.constant 0 : i32
    %dma_wait3A_14 = tpu.memref_slice %arg3[%dma_wait3A_12, %dma_wait3A_13] : memref<2560x768xf32, #tpu.memory_space<hbm>> -> memref<2560x768xf32, #tpu.memory_space<hbm>>
    tpu.wait_indirect_dma semaphore(%arg8 : memref<!tpu.dma_semaphore, #tpu.memory_space<semaphore_mem>>) src(%dma_wait3A_14 : memref<2560x768xf32, #tpu.memory_space<hbm>>) dst(%arg6 : memref<64x768xf32, #tpu.memory_space<vmem>>)
    %dma_start3A_15 = arith.constant 1 : i32
    %dma_start3A_16 = arith.constant 0 : i32
    %dma_start3A_17 = tpu.memref_slice %arg5[%dma_start3A_15, %dma_start3A_16] : memref<100x64xi32, #tpu.memory_space<vmem>> -> memref<1x64xi32, #tpu.memory_space<vmem>>
    %dma_start3A_18 = tpu.memref_squeeze %dma_start3A_17 : memref<1x64xi32, #tpu.memory_space<vmem>> -> memref<64xi32, #tpu.memory_space<vmem>>
    %dma_start3A_19 = arith.constant 0 : i32
    %dma_start3A_20 = arith.constant 0 : i32
    %dma_start3A_21 = tpu.memref_slice %arg3[%dma_start3A_19, %dma_start3A_20] : memref<2560x768xf32, #tpu.memory_space<hbm>> -> memref<2560x768xf32, #tpu.memory_space<hbm>>
    tpu.enqueue_indirect_dma source(%dma_start3A_21 : memref<2560x768xf32, #tpu.memory_space<hbm>>) target(%arg7 : memref<64x768xf32, #tpu.memory_space<vmem>>) offsets(%dma_start3A_18 : memref<64xi32, #tpu.memory_space<vmem>>) semaphore(%arg9 : memref<!tpu.dma_semaphore, #tpu.memory_space<semaphore_mem>>)
    %add3A_22 = arith.constant 0 : i32
    %add3A_23 = arith.addi %mul3A_2, %add3A_22 : i32
    %dma_start3A_24 = arith.constant 0 : i32
    %dma_start3A_25 = tpu.memref_slice %arg4[%add3A_23, %dma_start3A_24] : memref<204800x768xf32, #tpu.memory_space<hbm>> -> memref<64x768xf32, #tpu.memory_space<hbm>>
    %dma_start3A_26 = arith.constant 0 : i32
    %dma_start3A_27 = tpu.memref_slice %arg4[%add3A_23, %dma_start3A_26] : memref<204800x768xf32, #tpu.memory_space<hbm>> -> memref<64x768xf32, #tpu.memory_space<hbm>>
    tpu.enqueue_dma source(%arg6 : memref<64x768xf32, #tpu.memory_space<vmem>>) target(%dma_start3A_27 : memref<64x768xf32, #tpu.memory_space<hbm>>) target_semaphore(%arg10 : memref<!tpu.dma_semaphore, #tpu.memory_space<semaphore_mem>>)
    %scan3A = arith.constant 0 : i32
    %scan3A_28 = arith.constant 0 : i32
    %scan3A_29 = arith.constant 49 : i32
    %scan3A_30 = arith.addi %scan3A_28, %scan3A_29 : i32
    %scan3A_31 = arith.constant 1 : i32
    scf.for %scan3A_58 = %scan3A_28 to %scan3A_30 step %scan3A_31  : i32 {
      %mul3A_59 = arith.constant 2 : i32
      %mul3A_60 = arith.muli %mul3A_59, %scan3A_58 : i32
      %add3A_61 = arith.constant 1 : i32
      %add3A_62 = arith.addi %mul3A_60, %add3A_61 : i32
      %dma_wait3A_63 = arith.constant 0 : i32
      %dma_wait3A_64 = arith.constant 0 : i32
      %dma_wait3A_65 = tpu.memref_slice %arg5[%dma_wait3A_63, %dma_wait3A_64] : memref<100x64xi32, #tpu.memory_space<vmem>> -> memref<1x64xi32, #tpu.memory_space<vmem>>
      %dma_wait3A_66 = tpu.memref_squeeze %dma_wait3A_65 : memref<1x64xi32, #tpu.memory_space<vmem>> -> memref<64xi32, #tpu.memory_space<vmem>>
      %dma_wait3A_67 = arith.constant 0 : i32
      %dma_wait3A_68 = arith.constant 0 : i32
      %dma_wait3A_69 = tpu.memref_slice %arg3[%dma_wait3A_67, %dma_wait3A_68] : memref<2560x768xf32, #tpu.memory_space<hbm>> -> memref<2560x768xf32, #tpu.memory_space<hbm>>
      tpu.wait_indirect_dma semaphore(%arg9 : memref<!tpu.dma_semaphore, #tpu.memory_space<semaphore_mem>>) src(%dma_wait3A_69 : memref<2560x768xf32, #tpu.memory_space<hbm>>) dst(%arg7 : memref<64x768xf32, #tpu.memory_space<vmem>>)
      %dma_wait3A_70 = arith.constant 0 : i32
      %dma_wait3A_71 = arith.constant 0 : i32
      %dma_wait3A_72 = tpu.memref_slice %arg4[%dma_wait3A_70, %dma_wait3A_71] : memref<204800x768xf32, #tpu.memory_space<hbm>> -> memref<64x768xf32, #tpu.memory_space<hbm>>
      %dma_wait3A_73 = arith.constant 0 : i32
      %dma_wait3A_74 = arith.constant 0 : i32
      %dma_wait3A_75 = tpu.memref_slice %arg4[%dma_wait3A_73, %dma_wait3A_74] : memref<204800x768xf32, #tpu.memory_space<hbm>> -> memref<64x768xf32, #tpu.memory_space<hbm>>
      tpu.wait_dma2 semaphore(%arg10 : memref<!tpu.dma_semaphore, #tpu.memory_space<semaphore_mem>>) src(%arg6 : memref<64x768xf32, #tpu.memory_space<vmem>>) dst(%dma_wait3A_75 : memref<64x768xf32, #tpu.memory_space<hbm>>)
      %add3A_76 = arith.constant 1 : i32
      %add3A_77 = arith.addi %add3A_62, %add3A_76 : i32
      %dma_start3A_78 = arith.constant 0 : i32
      %dma_start3A_79 = tpu.memref_slice %arg5[%add3A_77, %dma_start3A_78] : memref<100x64xi32, #tpu.memory_space<vmem>> -> memref<1x64xi32, #tpu.memory_space<vmem>>
      %dma_start3A_80 = tpu.memref_squeeze %dma_start3A_79 : memref<1x64xi32, #tpu.memory_space<vmem>> -> memref<64xi32, #tpu.memory_space<vmem>>
      %dma_start3A_81 = arith.constant 0 : i32
      %dma_start3A_82 = arith.constant 0 : i32
      %dma_start3A_83 = tpu.memref_slice %arg3[%dma_start3A_81, %dma_start3A_82] : memref<2560x768xf32, #tpu.memory_space<hbm>> -> memref<2560x768xf32, #tpu.memory_space<hbm>>
      tpu.enqueue_indirect_dma source(%dma_start3A_83 : memref<2560x768xf32, #tpu.memory_space<hbm>>) target(%arg6 : memref<64x768xf32, #tpu.memory_space<vmem>>) offsets(%dma_start3A_80 : memref<64xi32, #tpu.memory_space<vmem>>) semaphore(%arg8 : memref<!tpu.dma_semaphore, #tpu.memory_space<semaphore_mem>>)
      %mul3A_84 = arith.constant 64 : i32
      %mul3A_85 = arith.muli %add3A_62, %mul3A_84 : i32
      %add3A_86 = arith.addi %mul3A_2, %mul3A_85 : i32
      %dma_start3A_87 = arith.constant 0 : i32
      %dma_start3A_88 = tpu.memref_slice %arg4[%add3A_86, %dma_start3A_87] : memref<204800x768xf32, #tpu.memory_space<hbm>> -> memref<64x768xf32, #tpu.memory_space<hbm>>
      %dma_start3A_89 = arith.constant 0 : i32
      %dma_start3A_90 = tpu.memref_slice %arg4[%add3A_86, %dma_start3A_89] : memref<204800x768xf32, #tpu.memory_space<hbm>> -> memref<64x768xf32, #tpu.memory_space<hbm>>
      tpu.enqueue_dma source(%arg7 : memref<64x768xf32, #tpu.memory_space<vmem>>) target(%dma_start3A_90 : memref<64x768xf32, #tpu.memory_space<hbm>>) target_semaphore(%arg11 : memref<!tpu.dma_semaphore, #tpu.memory_space<semaphore_mem>>)
      %mul3A_91 = arith.constant 2 : i32
      %mul3A_92 = arith.muli %mul3A_91, %scan3A_58 : i32
      %add3A_93 = arith.constant 2 : i32
      %add3A_94 = arith.addi %mul3A_92, %add3A_93 : i32
      %dma_wait3A_95 = arith.constant 0 : i32
      %dma_wait3A_96 = arith.constant 0 : i32
      %dma_wait3A_97 = tpu.memref_slice %arg5[%dma_wait3A_95, %dma_wait3A_96] : memref<100x64xi32, #tpu.memory_space<vmem>> -> memref<1x64xi32, #tpu.memory_space<vmem>>
      %dma_wait3A_98 = tpu.memref_squeeze %dma_wait3A_97 : memref<1x64xi32, #tpu.memory_space<vmem>> -> memref<64xi32, #tpu.memory_space<vmem>>
      %dma_wait3A_99 = arith.constant 0 : i32
      %dma_wait3A_100 = arith.constant 0 : i32
      %dma_wait3A_101 = tpu.memref_slice %arg3[%dma_wait3A_99, %dma_wait3A_100] : memref<2560x768xf32, #tpu.memory_space<hbm>> -> memref<2560x768xf32, #tpu.memory_space<hbm>>
      tpu.wait_indirect_dma semaphore(%arg8 : memref<!tpu.dma_semaphore, #tpu.memory_space<semaphore_mem>>) src(%dma_wait3A_101 : memref<2560x768xf32, #tpu.memory_space<hbm>>) dst(%arg6 : memref<64x768xf32, #tpu.memory_space<vmem>>)
      %dma_wait3A_102 = arith.constant 0 : i32
      %dma_wait3A_103 = arith.constant 0 : i32
      %dma_wait3A_104 = tpu.memref_slice %arg4[%dma_wait3A_102, %dma_wait3A_103] : memref<204800x768xf32, #tpu.memory_space<hbm>> -> memref<64x768xf32, #tpu.memory_space<hbm>>
      %dma_wait3A_105 = arith.constant 0 : i32
      %dma_wait3A_106 = arith.constant 0 : i32
      %dma_wait3A_107 = tpu.memref_slice %arg4[%dma_wait3A_105, %dma_wait3A_106] : memref<204800x768xf32, #tpu.memory_space<hbm>> -> memref<64x768xf32, #tpu.memory_space<hbm>>
      tpu.wait_dma2 semaphore(%arg11 : memref<!tpu.dma_semaphore, #tpu.memory_space<semaphore_mem>>) src(%arg7 : memref<64x768xf32, #tpu.memory_space<vmem>>) dst(%dma_wait3A_107 : memref<64x768xf32, #tpu.memory_space<hbm>>)
      %add3A_108 = arith.constant 1 : i32
      %add3A_109 = arith.addi %add3A_94, %add3A_108 : i32
      %dma_start3A_110 = arith.constant 0 : i32
      %dma_start3A_111 = tpu.memref_slice %arg5[%add3A_109, %dma_start3A_110] : memref<100x64xi32, #tpu.memory_space<vmem>> -> memref<1x64xi32, #tpu.memory_space<vmem>>
      %dma_start3A_112 = tpu.memref_squeeze %dma_start3A_111 : memref<1x64xi32, #tpu.memory_space<vmem>> -> memref<64xi32, #tpu.memory_space<vmem>>
      %dma_start3A_113 = arith.constant 0 : i32
      %dma_start3A_114 = arith.constant 0 : i32
      %dma_start3A_115 = tpu.memref_slice %arg3[%dma_start3A_113, %dma_start3A_114] : memref<2560x768xf32, #tpu.memory_space<hbm>> -> memref<2560x768xf32, #tpu.memory_space<hbm>>
      tpu.enqueue_indirect_dma source(%dma_start3A_115 : memref<2560x768xf32, #tpu.memory_space<hbm>>) target(%arg7 : memref<64x768xf32, #tpu.memory_space<vmem>>) offsets(%dma_start3A_112 : memref<64xi32, #tpu.memory_space<vmem>>) semaphore(%arg9 : memref<!tpu.dma_semaphore, #tpu.memory_space<semaphore_mem>>)
      %mul3A_116 = arith.constant 64 : i32
      %mul3A_117 = arith.muli %add3A_94, %mul3A_116 : i32
      %add3A_118 = arith.addi %mul3A_2, %mul3A_117 : i32
      %dma_start3A_119 = arith.constant 0 : i32
      %dma_start3A_120 = tpu.memref_slice %arg4[%add3A_118, %dma_start3A_119] : memref<204800x768xf32, #tpu.memory_space<hbm>> -> memref<64x768xf32, #tpu.memory_space<hbm>>
      %dma_start3A_121 = arith.constant 0 : i32
      %dma_start3A_122 = tpu.memref_slice %arg4[%add3A_118, %dma_start3A_121] : memref<204800x768xf32, #tpu.memory_space<hbm>> -> memref<64x768xf32, #tpu.memory_space<hbm>>
      tpu.enqueue_dma source(%arg6 : memref<64x768xf32, #tpu.memory_space<vmem>>) target(%dma_start3A_122 : memref<64x768xf32, #tpu.memory_space<hbm>>) target_semaphore(%arg10 : memref<!tpu.dma_semaphore, #tpu.memory_space<semaphore_mem>>)
    }
    %scan3A_32 = arith.constant 49 : i32
    %dma_wait3A_33 = arith.constant 0 : i32
    %dma_wait3A_34 = arith.constant 0 : i32
    %dma_wait3A_35 = tpu.memref_slice %arg5[%dma_wait3A_33, %dma_wait3A_34] : memref<100x64xi32, #tpu.memory_space<vmem>> -> memref<1x64xi32, #tpu.memory_space<vmem>>
    %dma_wait3A_36 = tpu.memref_squeeze %dma_wait3A_35 : memref<1x64xi32, #tpu.memory_space<vmem>> -> memref<64xi32, #tpu.memory_space<vmem>>
    %dma_wait3A_37 = arith.constant 0 : i32
    %dma_wait3A_38 = arith.constant 0 : i32
    %dma_wait3A_39 = tpu.memref_slice %arg3[%dma_wait3A_37, %dma_wait3A_38] : memref<2560x768xf32, #tpu.memory_space<hbm>> -> memref<2560x768xf32, #tpu.memory_space<hbm>>
    tpu.wait_indirect_dma semaphore(%arg9 : memref<!tpu.dma_semaphore, #tpu.memory_space<semaphore_mem>>) src(%dma_wait3A_39 : memref<2560x768xf32, #tpu.memory_space<hbm>>) dst(%arg7 : memref<64x768xf32, #tpu.memory_space<vmem>>)
    %add3A_40 = arith.constant 6336 : i32
    %add3A_41 = arith.addi %mul3A_2, %add3A_40 : i32
    %dma_start3A_42 = arith.constant 0 : i32
    %dma_start3A_43 = tpu.memref_slice %arg4[%add3A_41, %dma_start3A_42] : memref<204800x768xf32, #tpu.memory_space<hbm>> -> memref<64x768xf32, #tpu.memory_space<hbm>>
    %dma_start3A_44 = arith.constant 0 : i32
    %dma_start3A_45 = tpu.memref_slice %arg4[%add3A_41, %dma_start3A_44] : memref<204800x768xf32, #tpu.memory_space<hbm>> -> memref<64x768xf32, #tpu.memory_space<hbm>>
    tpu.enqueue_dma source(%arg7 : memref<64x768xf32, #tpu.memory_space<vmem>>) target(%dma_start3A_45 : memref<64x768xf32, #tpu.memory_space<hbm>>) target_semaphore(%arg11 : memref<!tpu.dma_semaphore, #tpu.memory_space<semaphore_mem>>)
    %dma_wait3A_46 = arith.constant 0 : i32
    %dma_wait3A_47 = arith.constant 0 : i32
    %dma_wait3A_48 = tpu.memref_slice %arg4[%dma_wait3A_46, %dma_wait3A_47] : memref<204800x768xf32, #tpu.memory_space<hbm>> -> memref<64x768xf32, #tpu.memory_space<hbm>>
    %dma_wait3A_49 = arith.constant 0 : i32
    %dma_wait3A_50 = arith.constant 0 : i32
    %dma_wait3A_51 = tpu.memref_slice %arg4[%dma_wait3A_49, %dma_wait3A_50] : memref<204800x768xf32, #tpu.memory_space<hbm>> -> memref<64x768xf32, #tpu.memory_space<hbm>>
    tpu.wait_dma2 semaphore(%arg10 : memref<!tpu.dma_semaphore, #tpu.memory_space<semaphore_mem>>) src(%arg6 : memref<64x768xf32, #tpu.memory_space<vmem>>) dst(%dma_wait3A_51 : memref<64x768xf32, #tpu.memory_space<hbm>>)
    %dma_wait3A_52 = arith.constant 0 : i32
    %dma_wait3A_53 = arith.constant 0 : i32
    %dma_wait3A_54 = tpu.memref_slice %arg4[%dma_wait3A_52, %dma_wait3A_53] : memref<204800x768xf32, #tpu.memory_space<hbm>> -> memref<64x768xf32, #tpu.memory_space<hbm>>
    %dma_wait3A_55 = arith.constant 0 : i32
    %dma_wait3A_56 = arith.constant 0 : i32
    %dma_wait3A_57 = tpu.memref_slice %arg4[%dma_wait3A_55, %dma_wait3A_56] : memref<204800x768xf32, #tpu.memory_space<hbm>> -> memref<64x768xf32, #tpu.memory_space<hbm>>
    tpu.wait_dma2 semaphore(%arg11 : memref<!tpu.dma_semaphore, #tpu.memory_space<semaphore_mem>>) src(%arg7 : memref<64x768xf32, #tpu.memory_space<vmem>>) dst(%dma_wait3A_57 : memref<64x768xf32, #tpu.memory_space<hbm>>)
    return
  }
}

module attributes {stable_mosaic.version = 14 : i64} {
  func.func @_prep_body(%arg0: memref<4096x200xi32, #tpu.memory_space<vmem>>, %arg1: memref<4096x1xf32, #tpu.memory_space<vmem>>, %arg2: memref<4096x1xf32, #tpu.memory_space<vmem>>, %arg3: memref<5x128xf32, #tpu.memory_space<vmem>>, %arg4: memref<2x32xf32, #tpu.memory_space<vmem>>, %arg5: memref<2x32xf32, #tpu.memory_space<vmem>>, %arg6: memref<4096x50xi32, #tpu.memory_space<vmem>>, %arg7: memref<2560x768xf32, #tpu.memory_space<vmem>>) attributes {dimension_semantics = [], scalar_prefetch = 0 : i64, scratch_operands = 0 : i64, tpu.core_type = #tpu.core_type<tc>} {
    %get3A = arith.constant 0 : index
    %get3A_0 = arith.constant 0 : index
    %get3A_1 = vector.load %arg1[%get3A, %get3A_0] : memref<4096x1xf32, #tpu.memory_space<vmem>>, vector<4096x1xf32>
    %gt3A = arith.constant 5.000000e-01 : f32
    %gt3A_2 = vector.broadcast %gt3A : f32 to vector<4096x1xf32>
    %gt3A_3 = arith.cmpf ogt, %get3A_1, %gt3A_2 : vector<4096x1xf32>
    %convert_element_type3A = arith.extui %gt3A_3 : vector<4096x1xi1> to vector<4096x1xi32>
    %get3A_4 = arith.constant 0 : index
    %get3A_5 = arith.constant 0 : index
    %get3A_6 = vector.load %arg2[%get3A_4, %get3A_5] : memref<4096x1xf32, #tpu.memory_space<vmem>>, vector<4096x1xf32>
    %gt3A_7 = arith.constant 5.000000e-01 : f32
    %gt3A_8 = vector.broadcast %gt3A_7 : f32 to vector<4096x1xf32>
    %gt3A_9 = arith.cmpf ogt, %get3A_6, %gt3A_8 : vector<4096x1xf32>
    %convert_element_type3A_10 = arith.extui %gt3A_9 : vector<4096x1xi1> to vector<4096x1xi32>
    %mul3A = arith.constant 2 : i32
    %mul3A_11 = vector.broadcast %mul3A : i32 to vector<4096x1xi32>
    %mul3A_12 = arith.muli %convert_element_type3A, %mul3A_11 : vector<4096x1xi32>
    %add3A = arith.addi %mul3A_12, %convert_element_type3A_10 : vector<4096x1xi32>
    %iota3A = tpu.iota {dimensions = array<i32: 1>} : vector<4096x200xi32>
    %jit3A = arith.constant 4 : i32
    %eq3A = arith.constant 0 : i32
    %eq3A_13 = arith.cmpi eq, %jit3A, %eq3A : i32
    %jit3A_14 = arith.constant 1 : i32
    %select_n3A = arith.select %eq3A_13, %jit3A_14, %jit3A : i32
    %rem3A = vector.broadcast %select_n3A : i32 to vector<4096x200xi32>
    %rem3A_15 = arith.remsi %iota3A, %rem3A : vector<4096x200xi32>
    %ne3A = arith.constant 0 : i32
    %ne3A_16 = vector.broadcast %ne3A : i32 to vector<4096x200xi32>
    %ne3A_17 = arith.cmpi ne, %rem3A_15, %ne3A_16 : vector<4096x200xi32>
    %lt3A = arith.constant 0 : i32
    %lt3A_18 = vector.broadcast %lt3A : i32 to vector<4096x200xi32>
    %lt3A_19 = arith.cmpi slt, %rem3A_15, %lt3A_18 : vector<4096x200xi32>
    %lt3A_20 = arith.constant 0 : i32
    %lt3A_21 = arith.cmpi slt, %select_n3A, %lt3A_20 : i32
    %ne3A_22 = vector.broadcast %lt3A_21 : i1 to vector<4096x200xi1>
    %ne3A_23 = vector.broadcast %ne3A_22 : vector<4096x200xi1> to vector<4096x200xi1>
    %ne3A_24 = arith.xori %lt3A_19, %ne3A_23 : vector<4096x200xi1>
    %and3A = arith.andi %ne3A_24, %ne3A_17 : vector<4096x200xi1>
    %add3A_25 = vector.broadcast %select_n3A : i32 to vector<4096x200xi32>
    %add3A_26 = arith.addi %rem3A_15, %add3A_25 : vector<4096x200xi32>
    %select_n3A_27 = arith.select %and3A, %add3A_26, %rem3A_15 : vector<4096x200xi1>, vector<4096x200xi32>
    %eq3A_28 = arith.constant 0 : i32
    %eq3A_29 = vector.broadcast %eq3A_28 : i32 to vector<4096x200xi32>
    %eq3A_30 = arith.cmpi eq, %select_n3A_27, %eq3A_29 : vector<4096x200xi32>
    %eq3A_31 = arith.constant 1 : i32
    %eq3A_32 = vector.broadcast %eq3A_31 : i32 to vector<4096x200xi32>
    %eq3A_33 = arith.cmpi eq, %select_n3A_27, %eq3A_32 : vector<4096x200xi32>
    %eq3A_34 = arith.constant 2 : i32
    %eq3A_35 = vector.broadcast %eq3A_34 : i32 to vector<4096x200xi32>
    %eq3A_36 = arith.cmpi eq, %select_n3A_27, %eq3A_35 : vector<4096x200xi32>
    %jit3A_37 = arith.constant 2.000000e+01 : f32
    %jit3A_38 = arith.constant 4.000000e+00 : f32
    %broadcast_in_dim3A = vector.broadcast %jit3A_37 : f32 to vector<4096x200xf32>
    %broadcast_in_dim3A_39 = vector.broadcast %jit3A_38 : f32 to vector<4096x200xf32>
    %select_n3A_40 = arith.select %eq3A_36, %broadcast_in_dim3A, %broadcast_in_dim3A_39 : vector<4096x200xi1>, vector<4096x200xf32>
    %jit3A_41 = arith.constant 1.000000e+02 : f32
    %broadcast_in_dim3A_42 = vector.broadcast %jit3A_41 : f32 to vector<4096x200xf32>
    %select_n3A_43 = arith.select %eq3A_33, %broadcast_in_dim3A_42, %select_n3A_40 : vector<4096x200xi1>, vector<4096x200xf32>
    %jit3A_44 = arith.constant 5.000000e+02 : f32
    %broadcast_in_dim3A_45 = vector.broadcast %jit3A_44 : f32 to vector<4096x200xf32>
    %select_n3A_46 = arith.select %eq3A_30, %broadcast_in_dim3A_45, %select_n3A_43 : vector<4096x200xi1>, vector<4096x200xf32>
    %get3A_47 = arith.constant 0 : index
    %get3A_48 = arith.constant 0 : index
    %get3A_49 = vector.load %arg0[%get3A_47, %get3A_48] : memref<4096x200xi32, #tpu.memory_space<vmem>>, vector<4096x200xi32>
    %convert_element_type3A_50 = arith.sitofp %get3A_49 : vector<4096x200xi32> to vector<4096x200xf32>
    %mul3A_51 = arith.mulf %convert_element_type3A_50, %select_n3A_46 : vector<4096x200xf32>
    %iota3A_52 = tpu.iota {dimensions = array<i32: 0>} : vector<200x50xi32>
    %iota3A_53 = tpu.iota {dimensions = array<i32: 1>} : vector<200x50xi32>
    %jit3A_54 = arith.constant 4 : i32
    %div3A = vector.broadcast %jit3A_54 : i32 to vector<200x50xi32>
    %div3A_55 = arith.divsi %iota3A_52, %div3A : vector<200x50xi32>
    %sign3A = arith.constant 0 : i32
    %sign3A_56 = vector.broadcast %sign3A : i32 to vector<200x50xi32>
    %sign3A_57 = arith.cmpi sgt, %iota3A_52, %sign3A_56 : vector<200x50xi32>
    %sign3A_58 = arith.extui %sign3A_57 : vector<200x50xi1> to vector<200x50xi32>
    %sign3A_59 = arith.constant 0 : i32
    %sign3A_60 = vector.broadcast %sign3A_59 : i32 to vector<200x50xi32>
    %sign3A_61 = arith.cmpi slt, %iota3A_52, %sign3A_60 : vector<200x50xi32>
    %sign3A_62 = arith.extui %sign3A_61 : vector<200x50xi1> to vector<200x50xi32>
    %sign3A_63 = arith.subi %sign3A_58, %sign3A_62 : vector<200x50xi32>
    %sign3A_64 = arith.constant 0 : i32
    %sign3A_65 = arith.cmpi sgt, %jit3A_54, %sign3A_64 : i32
    %sign3A_66 = arith.extui %sign3A_65 : i1 to i32
    %sign3A_67 = arith.constant 0 : i32
    %sign3A_68 = arith.cmpi slt, %jit3A_54, %sign3A_67 : i32
    %sign3A_69 = arith.extui %sign3A_68 : i1 to i32
    %sign3A_70 = arith.subi %sign3A_66, %sign3A_69 : i32
    %ne3A_71 = vector.broadcast %sign3A_70 : i32 to vector<200x50xi32>
    %ne3A_72 = arith.cmpi ne, %sign3A_63, %ne3A_71 : vector<200x50xi32>
    %rem3A_73 = vector.broadcast %jit3A_54 : i32 to vector<200x50xi32>
    %rem3A_74 = arith.remsi %iota3A_52, %rem3A_73 : vector<200x50xi32>
    %ne3A_75 = arith.constant 0 : i32
    %ne3A_76 = vector.broadcast %ne3A_75 : i32 to vector<200x50xi32>
    %ne3A_77 = arith.cmpi ne, %rem3A_74, %ne3A_76 : vector<200x50xi32>
    %and3A_78 = arith.andi %ne3A_72, %ne3A_77 : vector<200x50xi1>
    %sub3A = arith.constant 1 : i32
    %sub3A_79 = vector.broadcast %sub3A : i32 to vector<200x50xi32>
    %sub3A_80 = arith.subi %div3A_55, %sub3A_79 : vector<200x50xi32>
    %select_n3A_81 = arith.select %and3A_78, %sub3A_80, %div3A_55 : vector<200x50xi1>, vector<200x50xi32>
    %eq3A_82 = arith.cmpi eq, %select_n3A_81, %iota3A_53 : vector<200x50xi32>
    %convert_element_type3A_83 = arith.extui %eq3A_82 : vector<200x50xi1> to vector<200x50xi32>
    %convert_element_type3A_84 = arith.sitofp %convert_element_type3A_83 : vector<200x50xi32> to vector<200x50xf32>
    %dot_general3A = arith.constant dense<0.000000e+00> : vector<4096x50xf32>
    %dot_general3A_85 = tpu.matmul %mul3A_51, %convert_element_type3A_84, %dot_general3A {dimension_numbers = #tpu.dot_dimension_numbers<[1], [0], [0], [1], [0, 0, 1, 1], [], []>, precision = #tpu.contract_precision<fp32>, transpose_lhs_hint = false} : vector<4096x200xf32>, vector<200x50xf32>, vector<4096x50xf32> -> vector<4096x50xf32>
    %convert_element_type3A_86 = arith.fptosi %dot_general3A_85 : vector<4096x50xf32> to vector<4096x50xi32>
    %add3A_87 = vector.broadcast %add3A : vector<4096x1xi32> to vector<4096x50xi32>
    %add3A_88 = arith.addi %convert_element_type3A_86, %add3A_87 : vector<4096x50xi32>
    %swap3A = arith.constant 0 : index
    %swap3A_89 = arith.constant 0 : index
    %swap3A_90 = vector.load %arg6[%swap3A, %swap3A_89] : memref<4096x50xi32, #tpu.memory_space<vmem>>, vector<4096x50xi32>
    tpu.vector_store %arg6[%swap3A, %swap3A_89], %add3A_88 {strides = array<i32>} : memref<4096x50xi32, #tpu.memory_space<vmem>>, vector<4096x50xi32>,
    %iota3A_91 = tpu.iota {dimensions = array<i32: 0>} : vector<2560x128xi32>
    %jit3A_92 = arith.constant 500 : i32
    %div3A_93 = vector.broadcast %jit3A_92 : i32 to vector<2560x128xi32>
    %div3A_94 = arith.divsi %iota3A_91, %div3A_93 : vector<2560x128xi32>
    %sign3A_95 = arith.constant 0 : i32
    %sign3A_96 = vector.broadcast %sign3A_95 : i32 to vector<2560x128xi32>
    %sign3A_97 = arith.cmpi sgt, %iota3A_91, %sign3A_96 : vector<2560x128xi32>
    %sign3A_98 = arith.extui %sign3A_97 : vector<2560x128xi1> to vector<2560x128xi32>
    %sign3A_99 = arith.constant 0 : i32
    %sign3A_100 = vector.broadcast %sign3A_99 : i32 to vector<2560x128xi32>
    %sign3A_101 = arith.cmpi slt, %iota3A_91, %sign3A_100 : vector<2560x128xi32>
    %sign3A_102 = arith.extui %sign3A_101 : vector<2560x128xi1> to vector<2560x128xi32>
    %sign3A_103 = arith.subi %sign3A_98, %sign3A_102 : vector<2560x128xi32>
    %sign3A_104 = arith.constant 0 : i32
    %sign3A_105 = arith.cmpi sgt, %jit3A_92, %sign3A_104 : i32
    %sign3A_106 = arith.extui %sign3A_105 : i1 to i32
    %sign3A_107 = arith.constant 0 : i32
    %sign3A_108 = arith.cmpi slt, %jit3A_92, %sign3A_107 : i32
    %sign3A_109 = arith.extui %sign3A_108 : i1 to i32
    %sign3A_110 = arith.subi %sign3A_106, %sign3A_109 : i32
    %ne3A_111 = vector.broadcast %sign3A_110 : i32 to vector<2560x128xi32>
    %ne3A_112 = arith.cmpi ne, %sign3A_103, %ne3A_111 : vector<2560x128xi32>
    %rem3A_113 = vector.broadcast %jit3A_92 : i32 to vector<2560x128xi32>
    %rem3A_114 = arith.remsi %iota3A_91, %rem3A_113 : vector<2560x128xi32>
    %ne3A_115 = arith.constant 0 : i32
    %ne3A_116 = vector.broadcast %ne3A_115 : i32 to vector<2560x128xi32>
    %ne3A_117 = arith.cmpi ne, %rem3A_114, %ne3A_116 : vector<2560x128xi32>
    %and3A_118 = arith.andi %ne3A_112, %ne3A_117 : vector<2560x128xi1>
    %sub3A_119 = arith.constant 1 : i32
    %sub3A_120 = vector.broadcast %sub3A_119 : i32 to vector<2560x128xi32>
    %sub3A_121 = arith.subi %div3A_94, %sub3A_120 : vector<2560x128xi32>
    %select_n3A_122 = arith.select %and3A_118, %sub3A_121, %div3A_94 : vector<2560x128xi1>, vector<2560x128xi32>
    %jit3A_123 = arith.constant 100 : i32
    %div3A_124 = vector.broadcast %jit3A_123 : i32 to vector<2560x128xi32>
    %div3A_125 = arith.divsi %iota3A_91, %div3A_124 : vector<2560x128xi32>
    %sign3A_126 = arith.constant 0 : i32
    %sign3A_127 = vector.broadcast %sign3A_126 : i32 to vector<2560x128xi32>
    %sign3A_128 = arith.cmpi sgt, %iota3A_91, %sign3A_127 : vector<2560x128xi32>
    %sign3A_129 = arith.extui %sign3A_128 : vector<2560x128xi1> to vector<2560x128xi32>
    %sign3A_130 = arith.constant 0 : i32
    %sign3A_131 = vector.broadcast %sign3A_130 : i32 to vector<2560x128xi32>
    %sign3A_132 = arith.cmpi slt, %iota3A_91, %sign3A_131 : vector<2560x128xi32>
    %sign3A_133 = arith.extui %sign3A_132 : vector<2560x128xi1> to vector<2560x128xi32>
    %sign3A_134 = arith.subi %sign3A_129, %sign3A_133 : vector<2560x128xi32>
    %sign3A_135 = arith.constant 0 : i32
    %sign3A_136 = arith.cmpi sgt, %jit3A_123, %sign3A_135 : i32
    %sign3A_137 = arith.extui %sign3A_136 : i1 to i32
    %sign3A_138 = arith.constant 0 : i32
    %sign3A_139 = arith.cmpi slt, %jit3A_123, %sign3A_138 : i32
    %sign3A_140 = arith.extui %sign3A_139 : i1 to i32
    %sign3A_141 = arith.subi %sign3A_137, %sign3A_140 : i32
    %ne3A_142 = vector.broadcast %sign3A_141 : i32 to vector<2560x128xi32>
    %ne3A_143 = arith.cmpi ne, %sign3A_134, %ne3A_142 : vector<2560x128xi32>
    %rem3A_144 = vector.broadcast %jit3A_123 : i32 to vector<2560x128xi32>
    %rem3A_145 = arith.remsi %iota3A_91, %rem3A_144 : vector<2560x128xi32>
    %ne3A_146 = arith.constant 0 : i32
    %ne3A_147 = vector.broadcast %ne3A_146 : i32 to vector<2560x128xi32>
    %ne3A_148 = arith.cmpi ne, %rem3A_145, %ne3A_147 : vector<2560x128xi32>
    %and3A_149 = arith.andi %ne3A_143, %ne3A_148 : vector<2560x128xi1>
    %sub3A_150 = arith.constant 1 : i32
    %sub3A_151 = vector.broadcast %sub3A_150 : i32 to vector<2560x128xi32>
    %sub3A_152 = arith.subi %div3A_125, %sub3A_151 : vector<2560x128xi32>
    %select_n3A_153 = arith.select %and3A_149, %sub3A_152, %div3A_125 : vector<2560x128xi1>, vector<2560x128xi32>
    %jit3A_154 = arith.constant 5 : i32
    %eq3A_155 = arith.constant 0 : i32
    %eq3A_156 = arith.cmpi eq, %jit3A_154, %eq3A_155 : i32
    %jit3A_157 = arith.constant 1 : i32
    %select_n3A_158 = arith.select %eq3A_156, %jit3A_157, %jit3A_154 : i32
    %rem3A_159 = vector.broadcast %select_n3A_158 : i32 to vector<2560x128xi32>
    %rem3A_160 = arith.remsi %select_n3A_153, %rem3A_159 : vector<2560x128xi32>
    %ne3A_161 = arith.constant 0 : i32
    %ne3A_162 = vector.broadcast %ne3A_161 : i32 to vector<2560x128xi32>
    %ne3A_163 = arith.cmpi ne, %rem3A_160, %ne3A_162 : vector<2560x128xi32>
    %lt3A_164 = arith.constant 0 : i32
    %lt3A_165 = vector.broadcast %lt3A_164 : i32 to vector<2560x128xi32>
    %lt3A_166 = arith.cmpi slt, %rem3A_160, %lt3A_165 : vector<2560x128xi32>
    %lt3A_167 = arith.constant 0 : i32
    %lt3A_168 = arith.cmpi slt, %select_n3A_158, %lt3A_167 : i32
    %ne3A_169 = vector.broadcast %lt3A_168 : i1 to vector<2560x128xi1>
    %ne3A_170 = vector.broadcast %ne3A_169 : vector<2560x128xi1> to vector<2560x128xi1>
    %ne3A_171 = arith.xori %lt3A_166, %ne3A_170 : vector<2560x128xi1>
    %and3A_172 = arith.andi %ne3A_171, %ne3A_163 : vector<2560x128xi1>
    %add3A_173 = vector.broadcast %select_n3A_158 : i32 to vector<2560x128xi32>
    %add3A_174 = arith.addi %rem3A_160, %add3A_173 : vector<2560x128xi32>
    %select_n3A_175 = arith.select %and3A_172, %add3A_174, %rem3A_160 : vector<2560x128xi1>, vector<2560x128xi32>
    %jit3A_176 = arith.constant 20 : i32
    %div3A_177 = vector.broadcast %jit3A_176 : i32 to vector<2560x128xi32>
    %div3A_178 = arith.divsi %iota3A_91, %div3A_177 : vector<2560x128xi32>
    %sign3A_179 = arith.constant 0 : i32
    %sign3A_180 = vector.broadcast %sign3A_179 : i32 to vector<2560x128xi32>
    %sign3A_181 = arith.cmpi sgt, %iota3A_91, %sign3A_180 : vector<2560x128xi32>
    %sign3A_182 = arith.extui %sign3A_181 : vector<2560x128xi1> to vector<2560x128xi32>
    %sign3A_183 = arith.constant 0 : i32
    %sign3A_184 = vector.broadcast %sign3A_183 : i32 to vector<2560x128xi32>
    %sign3A_185 = arith.cmpi slt, %iota3A_91, %sign3A_184 : vector<2560x128xi32>
    %sign3A_186 = arith.extui %sign3A_185 : vector<2560x128xi1> to vector<2560x128xi32>
    %sign3A_187 = arith.subi %sign3A_182, %sign3A_186 : vector<2560x128xi32>
    %sign3A_188 = arith.constant 0 : i32
    %sign3A_189 = arith.cmpi sgt, %jit3A_176, %sign3A_188 : i32
    %sign3A_190 = arith.extui %sign3A_189 : i1 to i32
    %sign3A_191 = arith.constant 0 : i32
    %sign3A_192 = arith.cmpi slt, %jit3A_176, %sign3A_191 : i32
    %sign3A_193 = arith.extui %sign3A_192 : i1 to i32
    %sign3A_194 = arith.subi %sign3A_190, %sign3A_193 : i32
    %ne3A_195 = vector.broadcast %sign3A_194 : i32 to vector<2560x128xi32>
    %ne3A_196 = arith.cmpi ne, %sign3A_187, %ne3A_195 : vector<2560x128xi32>
    %rem3A_197 = vector.broadcast %jit3A_176 : i32 to vector<2560x128xi32>
    %rem3A_198 = arith.remsi %iota3A_91, %rem3A_197 : vector<2560x128xi32>
    %ne3A_199 = arith.constant 0 : i32
    %ne3A_200 = vector.broadcast %ne3A_199 : i32 to vector<2560x128xi32>
    %ne3A_201 = arith.cmpi ne, %rem3A_198, %ne3A_200 : vector<2560x128xi32>
    %and3A_202 = arith.andi %ne3A_196, %ne3A_201 : vector<2560x128xi1>
    %sub3A_203 = arith.constant 1 : i32
    %sub3A_204 = vector.broadcast %sub3A_203 : i32 to vector<2560x128xi32>
    %sub3A_205 = arith.subi %div3A_178, %sub3A_204 : vector<2560x128xi32>
    %select_n3A_206 = arith.select %and3A_202, %sub3A_205, %div3A_178 : vector<2560x128xi1>, vector<2560x128xi32>
    %jit3A_207 = arith.constant 5 : i32
    %eq3A_208 = arith.constant 0 : i32
    %eq3A_209 = arith.cmpi eq, %jit3A_207, %eq3A_208 : i32
    %jit3A_210 = arith.constant 1 : i32
    %select_n3A_211 = arith.select %eq3A_209, %jit3A_210, %jit3A_207 : i32
    %rem3A_212 = vector.broadcast %select_n3A_211 : i32 to vector<2560x128xi32>
    %rem3A_213 = arith.remsi %select_n3A_206, %rem3A_212 : vector<2560x128xi32>
    %ne3A_214 = arith.constant 0 : i32
    %ne3A_215 = vector.broadcast %ne3A_214 : i32 to vector<2560x128xi32>
    %ne3A_216 = arith.cmpi ne, %rem3A_213, %ne3A_215 : vector<2560x128xi32>
    %lt3A_217 = arith.constant 0 : i32
    %lt3A_218 = vector.broadcast %lt3A_217 : i32 to vector<2560x128xi32>
    %lt3A_219 = arith.cmpi slt, %rem3A_213, %lt3A_218 : vector<2560x128xi32>
    %lt3A_220 = arith.constant 0 : i32
    %lt3A_221 = arith.cmpi slt, %select_n3A_211, %lt3A_220 : i32
    %ne3A_222 = vector.broadcast %lt3A_221 : i1 to vector<2560x128xi1>
    %ne3A_223 = vector.broadcast %ne3A_222 : vector<2560x128xi1> to vector<2560x128xi1>
    %ne3A_224 = arith.xori %lt3A_219, %ne3A_223 : vector<2560x128xi1>
    %and3A_225 = arith.andi %ne3A_224, %ne3A_216 : vector<2560x128xi1>
    %add3A_226 = vector.broadcast %select_n3A_211 : i32 to vector<2560x128xi32>
    %add3A_227 = arith.addi %rem3A_213, %add3A_226 : vector<2560x128xi32>
    %select_n3A_228 = arith.select %and3A_225, %add3A_227, %rem3A_213 : vector<2560x128xi1>, vector<2560x128xi32>
    %jit3A_229 = arith.constant 4 : i32
    %div3A_230 = vector.broadcast %jit3A_229 : i32 to vector<2560x128xi32>
    %div3A_231 = arith.divsi %iota3A_91, %div3A_230 : vector<2560x128xi32>
    %sign3A_232 = arith.constant 0 : i32
    %sign3A_233 = vector.broadcast %sign3A_232 : i32 to vector<2560x128xi32>
    %sign3A_234 = arith.cmpi sgt, %iota3A_91, %sign3A_233 : vector<2560x128xi32>
    %sign3A_235 = arith.extui %sign3A_234 : vector<2560x128xi1> to vector<2560x128xi32>
    %sign3A_236 = arith.constant 0 : i32
    %sign3A_237 = vector.broadcast %sign3A_236 : i32 to vector<2560x128xi32>
    %sign3A_238 = arith.cmpi slt, %iota3A_91, %sign3A_237 : vector<2560x128xi32>
    %sign3A_239 = arith.extui %sign3A_238 : vector<2560x128xi1> to vector<2560x128xi32>
    %sign3A_240 = arith.subi %sign3A_235, %sign3A_239 : vector<2560x128xi32>
    %sign3A_241 = arith.constant 0 : i32
    %sign3A_242 = arith.cmpi sgt, %jit3A_229, %sign3A_241 : i32
    %sign3A_243 = arith.extui %sign3A_242 : i1 to i32
    %sign3A_244 = arith.constant 0 : i32
    %sign3A_245 = arith.cmpi slt, %jit3A_229, %sign3A_244 : i32
    %sign3A_246 = arith.extui %sign3A_245 : i1 to i32
    %sign3A_247 = arith.subi %sign3A_243, %sign3A_246 : i32
    %ne3A_248 = vector.broadcast %sign3A_247 : i32 to vector<2560x128xi32>
    %ne3A_249 = arith.cmpi ne, %sign3A_240, %ne3A_248 : vector<2560x128xi32>
    %rem3A_250 = vector.broadcast %jit3A_229 : i32 to vector<2560x128xi32>
    %rem3A_251 = arith.remsi %iota3A_91, %rem3A_250 : vector<2560x128xi32>
    %ne3A_252 = arith.constant 0 : i32
    %ne3A_253 = vector.broadcast %ne3A_252 : i32 to vector<2560x128xi32>
    %ne3A_254 = arith.cmpi ne, %rem3A_251, %ne3A_253 : vector<2560x128xi32>
    %and3A_255 = arith.andi %ne3A_249, %ne3A_254 : vector<2560x128xi1>
    %sub3A_256 = arith.constant 1 : i32
    %sub3A_257 = vector.broadcast %sub3A_256 : i32 to vector<2560x128xi32>
    %sub3A_258 = arith.subi %div3A_231, %sub3A_257 : vector<2560x128xi32>
    %select_n3A_259 = arith.select %and3A_255, %sub3A_258, %div3A_231 : vector<2560x128xi1>, vector<2560x128xi32>
    %jit3A_260 = arith.constant 5 : i32
    %eq3A_261 = arith.constant 0 : i32
    %eq3A_262 = arith.cmpi eq, %jit3A_260, %eq3A_261 : i32
    %jit3A_263 = arith.constant 1 : i32
    %select_n3A_264 = arith.select %eq3A_262, %jit3A_263, %jit3A_260 : i32
    %rem3A_265 = vector.broadcast %select_n3A_264 : i32 to vector<2560x128xi32>
    %rem3A_266 = arith.remsi %select_n3A_259, %rem3A_265 : vector<2560x128xi32>
    %ne3A_267 = arith.constant 0 : i32
    %ne3A_268 = vector.broadcast %ne3A_267 : i32 to vector<2560x128xi32>
    %ne3A_269 = arith.cmpi ne, %rem3A_266, %ne3A_268 : vector<2560x128xi32>
    %lt3A_270 = arith.constant 0 : i32
    %lt3A_271 = vector.broadcast %lt3A_270 : i32 to vector<2560x128xi32>
    %lt3A_272 = arith.cmpi slt, %rem3A_266, %lt3A_271 : vector<2560x128xi32>
    %lt3A_273 = arith.constant 0 : i32
    %lt3A_274 = arith.cmpi slt, %select_n3A_264, %lt3A_273 : i32
    %ne3A_275 = vector.broadcast %lt3A_274 : i1 to vector<2560x128xi1>
    %ne3A_276 = vector.broadcast %ne3A_275 : vector<2560x128xi1> to vector<2560x128xi1>
    %ne3A_277 = arith.xori %lt3A_272, %ne3A_276 : vector<2560x128xi1>
    %and3A_278 = arith.andi %ne3A_277, %ne3A_269 : vector<2560x128xi1>
    %add3A_279 = vector.broadcast %select_n3A_264 : i32 to vector<2560x128xi32>
    %add3A_280 = arith.addi %rem3A_266, %add3A_279 : vector<2560x128xi32>
    %select_n3A_281 = arith.select %and3A_278, %add3A_280, %rem3A_266 : vector<2560x128xi1>, vector<2560x128xi32>
    %broadcast_in_dim3A_282 = arith.constant 0.000000e+00 : f32
    %broadcast_in_dim3A_283 = vector.broadcast %broadcast_in_dim3A_282 : f32 to vector<2560x128xf32>
    %eq3A_284 = arith.constant 0 : i32
    %eq3A_285 = vector.broadcast %eq3A_284 : i32 to vector<2560x128xi32>
    %eq3A_286 = arith.cmpi eq, %select_n3A_122, %eq3A_285 : vector<2560x128xi32>
    %get3A_287 = arith.constant 0 : index
    %get3A_288 = arith.constant 0 : index
    %get3A_289 = vector.load %arg3[%get3A_287, %get3A_288] : memref<5x128xf32, #tpu.memory_space<vmem>>, vector<1x128xf32>
    %get3A_290 = vector.shape_cast %get3A_289 : vector<1x128xf32> to vector<128xf32>
    %broadcast_in_dim3A_291 = vector.shape_cast %get3A_290 : vector<128xf32> to vector<1x128xf32>
    %broadcast_in_dim3A_292 = vector.shape_cast %broadcast_in_dim3A_291 : vector<1x128xf32> to vector<1x128xf32>
    %broadcast_in_dim3A_293 = vector.broadcast %broadcast_in_dim3A_292 : vector<1x128xf32> to vector<2560x128xf32>
    %select_n3A_294 = arith.select %eq3A_286, %broadcast_in_dim3A_293, %broadcast_in_dim3A_283 : vector<2560x128xi1>, vector<2560x128xf32>
    %eq3A_295 = arith.constant 1 : i32
    %eq3A_296 = vector.broadcast %eq3A_295 : i32 to vector<2560x128xi32>
    %eq3A_297 = arith.cmpi eq, %select_n3A_122, %eq3A_296 : vector<2560x128xi32>
    %get3A_298 = arith.constant 1 : index
    %get3A_299 = arith.constant 0 : index
    %get3A_300 = vector.load %arg3[%get3A_298, %get3A_299] : memref<5x128xf32, #tpu.memory_space<vmem>>, vector<1x128xf32>
    %get3A_301 = vector.shape_cast %get3A_300 : vector<1x128xf32> to vector<128xf32>
    %broadcast_in_dim3A_302 = vector.shape_cast %get3A_301 : vector<128xf32> to vector<1x128xf32>
    %broadcast_in_dim3A_303 = vector.shape_cast %broadcast_in_dim3A_302 : vector<1x128xf32> to vector<1x128xf32>
    %broadcast_in_dim3A_304 = vector.broadcast %broadcast_in_dim3A_303 : vector<1x128xf32> to vector<2560x128xf32>
    %select_n3A_305 = arith.select %eq3A_297, %broadcast_in_dim3A_304, %select_n3A_294 : vector<2560x128xi1>, vector<2560x128xf32>
    %eq3A_306 = arith.constant 2 : i32
    %eq3A_307 = vector.broadcast %eq3A_306 : i32 to vector<2560x128xi32>
    %eq3A_308 = arith.cmpi eq, %select_n3A_122, %eq3A_307 : vector<2560x128xi32>
    %get3A_309 = arith.constant 2 : index
    %get3A_310 = arith.constant 0 : index
    %get3A_311 = vector.load %arg3[%get3A_309, %get3A_310] : memref<5x128xf32, #tpu.memory_space<vmem>>, vector<1x128xf32>
    %get3A_312 = vector.shape_cast %get3A_311 : vector<1x128xf32> to vector<128xf32>
    %broadcast_in_dim3A_313 = vector.shape_cast %get3A_312 : vector<128xf32> to vector<1x128xf32>
    %broadcast_in_dim3A_314 = vector.shape_cast %broadcast_in_dim3A_313 : vector<1x128xf32> to vector<1x128xf32>
    %broadcast_in_dim3A_315 = vector.broadcast %broadcast_in_dim3A_314 : vector<1x128xf32> to vector<2560x128xf32>
    %select_n3A_316 = arith.select %eq3A_308, %broadcast_in_dim3A_315, %select_n3A_305 : vector<2560x128xi1>, vector<2560x128xf32>
    %eq3A_317 = arith.constant 3 : i32
    %eq3A_318 = vector.broadcast %eq3A_317 : i32 to vector<2560x128xi32>
    %eq3A_319 = arith.cmpi eq, %select_n3A_122, %eq3A_318 : vector<2560x128xi32>
    %get3A_320 = arith.constant 3 : index
    %get3A_321 = arith.constant 0 : index
    %get3A_322 = vector.load %arg3[%get3A_320, %get3A_321] : memref<5x128xf32, #tpu.memory_space<vmem>>, vector<1x128xf32>
    %get3A_323 = vector.shape_cast %get3A_322 : vector<1x128xf32> to vector<128xf32>
    %broadcast_in_dim3A_324 = vector.shape_cast %get3A_323 : vector<128xf32> to vector<1x128xf32>
    %broadcast_in_dim3A_325 = vector.shape_cast %broadcast_in_dim3A_324 : vector<1x128xf32> to vector<1x128xf32>
    %broadcast_in_dim3A_326 = vector.broadcast %broadcast_in_dim3A_325 : vector<1x128xf32> to vector<2560x128xf32>
    %select_n3A_327 = arith.select %eq3A_319, %broadcast_in_dim3A_326, %select_n3A_316 : vector<2560x128xi1>, vector<2560x128xf32>
    %eq3A_328 = arith.constant 4 : i32
    %eq3A_329 = vector.broadcast %eq3A_328 : i32 to vector<2560x128xi32>
    %eq3A_330 = arith.cmpi eq, %select_n3A_122, %eq3A_329 : vector<2560x128xi32>
    %get3A_331 = arith.constant 4 : index
    %get3A_332 = arith.constant 0 : index
    %get3A_333 = vector.load %arg3[%get3A_331, %get3A_332] : memref<5x128xf32, #tpu.memory_space<vmem>>, vector<1x128xf32>
    %get3A_334 = vector.shape_cast %get3A_333 : vector<1x128xf32> to vector<128xf32>
    %broadcast_in_dim3A_335 = vector.shape_cast %get3A_334 : vector<128xf32> to vector<1x128xf32>
    %broadcast_in_dim3A_336 = vector.shape_cast %broadcast_in_dim3A_335 : vector<1x128xf32> to vector<1x128xf32>
    %broadcast_in_dim3A_337 = vector.broadcast %broadcast_in_dim3A_336 : vector<1x128xf32> to vector<2560x128xf32>
    %select_n3A_338 = arith.select %eq3A_330, %broadcast_in_dim3A_337, %select_n3A_327 : vector<2560x128xi1>, vector<2560x128xf32>
    %broadcast_in_dim3A_339 = arith.constant 0.000000e+00 : f32
    %broadcast_in_dim3A_340 = vector.broadcast %broadcast_in_dim3A_339 : f32 to vector<2560x128xf32>
    %eq3A_341 = arith.constant 0 : i32
    %eq3A_342 = vector.broadcast %eq3A_341 : i32 to vector<2560x128xi32>
    %eq3A_343 = arith.cmpi eq, %select_n3A_175, %eq3A_342 : vector<2560x128xi32>
    %get3A_344 = arith.constant 0 : index
    %get3A_345 = arith.constant 0 : index
    %get3A_346 = vector.load %arg3[%get3A_344, %get3A_345] : memref<5x128xf32, #tpu.memory_space<vmem>>, vector<1x128xf32>
    %get3A_347 = vector.shape_cast %get3A_346 : vector<1x128xf32> to vector<128xf32>
    %broadcast_in_dim3A_348 = vector.shape_cast %get3A_347 : vector<128xf32> to vector<1x128xf32>
    %broadcast_in_dim3A_349 = vector.shape_cast %broadcast_in_dim3A_348 : vector<1x128xf32> to vector<1x128xf32>
    %broadcast_in_dim3A_350 = vector.broadcast %broadcast_in_dim3A_349 : vector<1x128xf32> to vector<2560x128xf32>
    %select_n3A_351 = arith.select %eq3A_343, %broadcast_in_dim3A_350, %broadcast_in_dim3A_340 : vector<2560x128xi1>, vector<2560x128xf32>
    %eq3A_352 = arith.constant 1 : i32
    %eq3A_353 = vector.broadcast %eq3A_352 : i32 to vector<2560x128xi32>
    %eq3A_354 = arith.cmpi eq, %select_n3A_175, %eq3A_353 : vector<2560x128xi32>
    %get3A_355 = arith.constant 1 : index
    %get3A_356 = arith.constant 0 : index
    %get3A_357 = vector.load %arg3[%get3A_355, %get3A_356] : memref<5x128xf32, #tpu.memory_space<vmem>>, vector<1x128xf32>
    %get3A_358 = vector.shape_cast %get3A_357 : vector<1x128xf32> to vector<128xf32>
    %broadcast_in_dim3A_359 = vector.shape_cast %get3A_358 : vector<128xf32> to vector<1x128xf32>
    %broadcast_in_dim3A_360 = vector.shape_cast %broadcast_in_dim3A_359 : vector<1x128xf32> to vector<1x128xf32>
    %broadcast_in_dim3A_361 = vector.broadcast %broadcast_in_dim3A_360 : vector<1x128xf32> to vector<2560x128xf32>
    %select_n3A_362 = arith.select %eq3A_354, %broadcast_in_dim3A_361, %select_n3A_351 : vector<2560x128xi1>, vector<2560x128xf32>
    %eq3A_363 = arith.constant 2 : i32
    %eq3A_364 = vector.broadcast %eq3A_363 : i32 to vector<2560x128xi32>
    %eq3A_365 = arith.cmpi eq, %select_n3A_175, %eq3A_364 : vector<2560x128xi32>
    %get3A_366 = arith.constant 2 : index
    %get3A_367 = arith.constant 0 : index
    %get3A_368 = vector.load %arg3[%get3A_366, %get3A_367] : memref<5x128xf32, #tpu.memory_space<vmem>>, vector<1x128xf32>
    %get3A_369 = vector.shape_cast %get3A_368 : vector<1x128xf32> to vector<128xf32>
    %broadcast_in_dim3A_370 = vector.shape_cast %get3A_369 : vector<128xf32> to vector<1x128xf32>
    %broadcast_in_dim3A_371 = vector.shape_cast %broadcast_in_dim3A_370 : vector<1x128xf32> to vector<1x128xf32>
    %broadcast_in_dim3A_372 = vector.broadcast %broadcast_in_dim3A_371 : vector<1x128xf32> to vector<2560x128xf32>
    %select_n3A_373 = arith.select %eq3A_365, %broadcast_in_dim3A_372, %select_n3A_362 : vector<2560x128xi1>, vector<2560x128xf32>
    %eq3A_374 = arith.constant 3 : i32
    %eq3A_375 = vector.broadcast %eq3A_374 : i32 to vector<2560x128xi32>
    %eq3A_376 = arith.cmpi eq, %select_n3A_175, %eq3A_375 : vector<2560x128xi32>
    %get3A_377 = arith.constant 3 : index
    %get3A_378 = arith.constant 0 : index
    %get3A_379 = vector.load %arg3[%get3A_377, %get3A_378] : memref<5x128xf32, #tpu.memory_space<vmem>>, vector<1x128xf32>
    %get3A_380 = vector.shape_cast %get3A_379 : vector<1x128xf32> to vector<128xf32>
    %broadcast_in_dim3A_381 = vector.shape_cast %get3A_380 : vector<128xf32> to vector<1x128xf32>
    %broadcast_in_dim3A_382 = vector.shape_cast %broadcast_in_dim3A_381 : vector<1x128xf32> to vector<1x128xf32>
    %broadcast_in_dim3A_383 = vector.broadcast %broadcast_in_dim3A_382 : vector<1x128xf32> to vector<2560x128xf32>
    %select_n3A_384 = arith.select %eq3A_376, %broadcast_in_dim3A_383, %select_n3A_373 : vector<2560x128xi1>, vector<2560x128xf32>
    %eq3A_385 = arith.constant 4 : i32
    %eq3A_386 = vector.broadcast %eq3A_385 : i32 to vector<2560x128xi32>
    %eq3A_387 = arith.cmpi eq, %select_n3A_175, %eq3A_386 : vector<2560x128xi32>
    %get3A_388 = arith.constant 4 : index
    %get3A_389 = arith.constant 0 : index
    %get3A_390 = vector.load %arg3[%get3A_388, %get3A_389] : memref<5x128xf32, #tpu.memory_space<vmem>>, vector<1x128xf32>
    %get3A_391 = vector.shape_cast %get3A_390 : vector<1x128xf32> to vector<128xf32>
    %broadcast_in_dim3A_392 = vector.shape_cast %get3A_391 : vector<128xf32> to vector<1x128xf32>
    %broadcast_in_dim3A_393 = vector.shape_cast %broadcast_in_dim3A_392 : vector<1x128xf32> to vector<1x128xf32>
    %broadcast_in_dim3A_394 = vector.broadcast %broadcast_in_dim3A_393 : vector<1x128xf32> to vector<2560x128xf32>
    %select_n3A_395 = arith.select %eq3A_387, %broadcast_in_dim3A_394, %select_n3A_384 : vector<2560x128xi1>, vector<2560x128xf32>
    %broadcast_in_dim3A_396 = arith.constant 0.000000e+00 : f32
    %broadcast_in_dim3A_397 = vector.broadcast %broadcast_in_dim3A_396 : f32 to vector<2560x128xf32>
    %eq3A_398 = arith.constant 0 : i32
    %eq3A_399 = vector.broadcast %eq3A_398 : i32 to vector<2560x128xi32>
    %eq3A_400 = arith.cmpi eq, %select_n3A_228, %eq3A_399 : vector<2560x128xi32>
    %get3A_401 = arith.constant 0 : index
    %get3A_402 = arith.constant 0 : index
    %get3A_403 = vector.load %arg3[%get3A_401, %get3A_402] : memref<5x128xf32, #tpu.memory_space<vmem>>, vector<1x128xf32>
    %get3A_404 = vector.shape_cast %get3A_403 : vector<1x128xf32> to vector<128xf32>
    %broadcast_in_dim3A_405 = vector.shape_cast %get3A_404 : vector<128xf32> to vector<1x128xf32>
    %broadcast_in_dim3A_406 = vector.shape_cast %broadcast_in_dim3A_405 : vector<1x128xf32> to vector<1x128xf32>
    %broadcast_in_dim3A_407 = vector.broadcast %broadcast_in_dim3A_406 : vector<1x128xf32> to vector<2560x128xf32>
    %select_n3A_408 = arith.select %eq3A_400, %broadcast_in_dim3A_407, %broadcast_in_dim3A_397 : vector<2560x128xi1>, vector<2560x128xf32>
    %eq3A_409 = arith.constant 1 : i32
    %eq3A_410 = vector.broadcast %eq3A_409 : i32 to vector<2560x128xi32>
    %eq3A_411 = arith.cmpi eq, %select_n3A_228, %eq3A_410 : vector<2560x128xi32>
    %get3A_412 = arith.constant 1 : index
    %get3A_413 = arith.constant 0 : index
    %get3A_414 = vector.load %arg3[%get3A_412, %get3A_413] : memref<5x128xf32, #tpu.memory_space<vmem>>, vector<1x128xf32>
    %get3A_415 = vector.shape_cast %get3A_414 : vector<1x128xf32> to vector<128xf32>
    %broadcast_in_dim3A_416 = vector.shape_cast %get3A_415 : vector<128xf32> to vector<1x128xf32>
    %broadcast_in_dim3A_417 = vector.shape_cast %broadcast_in_dim3A_416 : vector<1x128xf32> to vector<1x128xf32>
    %broadcast_in_dim3A_418 = vector.broadcast %broadcast_in_dim3A_417 : vector<1x128xf32> to vector<2560x128xf32>
    %select_n3A_419 = arith.select %eq3A_411, %broadcast_in_dim3A_418, %select_n3A_408 : vector<2560x128xi1>, vector<2560x128xf32>
    %eq3A_420 = arith.constant 2 : i32
    %eq3A_421 = vector.broadcast %eq3A_420 : i32 to vector<2560x128xi32>
    %eq3A_422 = arith.cmpi eq, %select_n3A_228, %eq3A_421 : vector<2560x128xi32>
    %get3A_423 = arith.constant 2 : index
    %get3A_424 = arith.constant 0 : index
    %get3A_425 = vector.load %arg3[%get3A_423, %get3A_424] : memref<5x128xf32, #tpu.memory_space<vmem>>, vector<1x128xf32>
    %get3A_426 = vector.shape_cast %get3A_425 : vector<1x128xf32> to vector<128xf32>
    %broadcast_in_dim3A_427 = vector.shape_cast %get3A_426 : vector<128xf32> to vector<1x128xf32>
    %broadcast_in_dim3A_428 = vector.shape_cast %broadcast_in_dim3A_427 : vector<1x128xf32> to vector<1x128xf32>
    %broadcast_in_dim3A_429 = vector.broadcast %broadcast_in_dim3A_428 : vector<1x128xf32> to vector<2560x128xf32>
    %select_n3A_430 = arith.select %eq3A_422, %broadcast_in_dim3A_429, %select_n3A_419 : vector<2560x128xi1>, vector<2560x128xf32>
    %eq3A_431 = arith.constant 3 : i32
    %eq3A_432 = vector.broadcast %eq3A_431 : i32 to vector<2560x128xi32>
    %eq3A_433 = arith.cmpi eq, %select_n3A_228, %eq3A_432 : vector<2560x128xi32>
    %get3A_434 = arith.constant 3 : index
    %get3A_435 = arith.constant 0 : index
    %get3A_436 = vector.load %arg3[%get3A_434, %get3A_435] : memref<5x128xf32, #tpu.memory_space<vmem>>, vector<1x128xf32>
    %get3A_437 = vector.shape_cast %get3A_436 : vector<1x128xf32> to vector<128xf32>
    %broadcast_in_dim3A_438 = vector.shape_cast %get3A_437 : vector<128xf32> to vector<1x128xf32>
    %broadcast_in_dim3A_439 = vector.shape_cast %broadcast_in_dim3A_438 : vector<1x128xf32> to vector<1x128xf32>
    %broadcast_in_dim3A_440 = vector.broadcast %broadcast_in_dim3A_439 : vector<1x128xf32> to vector<2560x128xf32>
    %select_n3A_441 = arith.select %eq3A_433, %broadcast_in_dim3A_440, %select_n3A_430 : vector<2560x128xi1>, vector<2560x128xf32>
    %eq3A_442 = arith.constant 4 : i32
    %eq3A_443 = vector.broadcast %eq3A_442 : i32 to vector<2560x128xi32>
    %eq3A_444 = arith.cmpi eq, %select_n3A_228, %eq3A_443 : vector<2560x128xi32>
    %get3A_445 = arith.constant 4 : index
    %get3A_446 = arith.constant 0 : index
    %get3A_447 = vector.load %arg3[%get3A_445, %get3A_446] : memref<5x128xf32, #tpu.memory_space<vmem>>, vector<1x128xf32>
    %get3A_448 = vector.shape_cast %get3A_447 : vector<1x128xf32> to vector<128xf32>
    %broadcast_in_dim3A_449 = vector.shape_cast %get3A_448 : vector<128xf32> to vector<1x128xf32>
    %broadcast_in_dim3A_450 = vector.shape_cast %broadcast_in_dim3A_449 : vector<1x128xf32> to vector<1x128xf32>
    %broadcast_in_dim3A_451 = vector.broadcast %broadcast_in_dim3A_450 : vector<1x128xf32> to vector<2560x128xf32>
    %select_n3A_452 = arith.select %eq3A_444, %broadcast_in_dim3A_451, %select_n3A_441 : vector<2560x128xi1>, vector<2560x128xf32>
    %broadcast_in_dim3A_453 = arith.constant 0.000000e+00 : f32
    %broadcast_in_dim3A_454 = vector.broadcast %broadcast_in_dim3A_453 : f32 to vector<2560x128xf32>
    %eq3A_455 = arith.constant 0 : i32
    %eq3A_456 = vector.broadcast %eq3A_455 : i32 to vector<2560x128xi32>
    %eq3A_457 = arith.cmpi eq, %select_n3A_281, %eq3A_456 : vector<2560x128xi32>
    %get3A_458 = arith.constant 0 : index
    %get3A_459 = arith.constant 0 : index
    %get3A_460 = vector.load %arg3[%get3A_458, %get3A_459] : memref<5x128xf32, #tpu.memory_space<vmem>>, vector<1x128xf32>
    %get3A_461 = vector.shape_cast %get3A_460 : vector<1x128xf32> to vector<128xf32>
    %broadcast_in_dim3A_462 = vector.shape_cast %get3A_461 : vector<128xf32> to vector<1x128xf32>
    %broadcast_in_dim3A_463 = vector.shape_cast %broadcast_in_dim3A_462 : vector<1x128xf32> to vector<1x128xf32>
    %broadcast_in_dim3A_464 = vector.broadcast %broadcast_in_dim3A_463 : vector<1x128xf32> to vector<2560x128xf32>
    %select_n3A_465 = arith.select %eq3A_457, %broadcast_in_dim3A_464, %broadcast_in_dim3A_454 : vector<2560x128xi1>, vector<2560x128xf32>
    %eq3A_466 = arith.constant 1 : i32
    %eq3A_467 = vector.broadcast %eq3A_466 : i32 to vector<2560x128xi32>
    %eq3A_468 = arith.cmpi eq, %select_n3A_281, %eq3A_467 : vector<2560x128xi32>
    %get3A_469 = arith.constant 1 : index
    %get3A_470 = arith.constant 0 : index
    %get3A_471 = vector.load %arg3[%get3A_469, %get3A_470] : memref<5x128xf32, #tpu.memory_space<vmem>>, vector<1x128xf32>
    %get3A_472 = vector.shape_cast %get3A_471 : vector<1x128xf32> to vector<128xf32>
    %broadcast_in_dim3A_473 = vector.shape_cast %get3A_472 : vector<128xf32> to vector<1x128xf32>
    %broadcast_in_dim3A_474 = vector.shape_cast %broadcast_in_dim3A_473 : vector<1x128xf32> to vector<1x128xf32>
    %broadcast_in_dim3A_475 = vector.broadcast %broadcast_in_dim3A_474 : vector<1x128xf32> to vector<2560x128xf32>
    %select_n3A_476 = arith.select %eq3A_468, %broadcast_in_dim3A_475, %select_n3A_465 : vector<2560x128xi1>, vector<2560x128xf32>
    %eq3A_477 = arith.constant 2 : i32
    %eq3A_478 = vector.broadcast %eq3A_477 : i32 to vector<2560x128xi32>
    %eq3A_479 = arith.cmpi eq, %select_n3A_281, %eq3A_478 : vector<2560x128xi32>
    %get3A_480 = arith.constant 2 : index
    %get3A_481 = arith.constant 0 : index
    %get3A_482 = vector.load %arg3[%get3A_480, %get3A_481] : memref<5x128xf32, #tpu.memory_space<vmem>>, vector<1x128xf32>
    %get3A_483 = vector.shape_cast %get3A_482 : vector<1x128xf32> to vector<128xf32>
    %broadcast_in_dim3A_484 = vector.shape_cast %get3A_483 : vector<128xf32> to vector<1x128xf32>
    %broadcast_in_dim3A_485 = vector.shape_cast %broadcast_in_dim3A_484 : vector<1x128xf32> to vector<1x128xf32>
    %broadcast_in_dim3A_486 = vector.broadcast %broadcast_in_dim3A_485 : vector<1x128xf32> to vector<2560x128xf32>
    %select_n3A_487 = arith.select %eq3A_479, %broadcast_in_dim3A_486, %select_n3A_476 : vector<2560x128xi1>, vector<2560x128xf32>
    %eq3A_488 = arith.constant 3 : i32
    %eq3A_489 = vector.broadcast %eq3A_488 : i32 to vector<2560x128xi32>
    %eq3A_490 = arith.cmpi eq, %select_n3A_281, %eq3A_489 : vector<2560x128xi32>
    %get3A_491 = arith.constant 3 : index
    %get3A_492 = arith.constant 0 : index
    %get3A_493 = vector.load %arg3[%get3A_491, %get3A_492] : memref<5x128xf32, #tpu.memory_space<vmem>>, vector<1x128xf32>
    %get3A_494 = vector.shape_cast %get3A_493 : vector<1x128xf32> to vector<128xf32>
    %broadcast_in_dim3A_495 = vector.shape_cast %get3A_494 : vector<128xf32> to vector<1x128xf32>
    %broadcast_in_dim3A_496 = vector.shape_cast %broadcast_in_dim3A_495 : vector<1x128xf32> to vector<1x128xf32>
    %broadcast_in_dim3A_497 = vector.broadcast %broadcast_in_dim3A_496 : vector<1x128xf32> to vector<2560x128xf32>
    %select_n3A_498 = arith.select %eq3A_490, %broadcast_in_dim3A_497, %select_n3A_487 : vector<2560x128xi1>, vector<2560x128xf32>
    %eq3A_499 = arith.constant 4 : i32
    %eq3A_500 = vector.broadcast %eq3A_499 : i32 to vector<2560x128xi32>
    %eq3A_501 = arith.cmpi eq, %select_n3A_281, %eq3A_500 : vector<2560x128xi32>
    %get3A_502 = arith.constant 4 : index
    %get3A_503 = arith.constant 0 : index
    %get3A_504 = vector.load %arg3[%get3A_502, %get3A_503] : memref<5x128xf32, #tpu.memory_space<vmem>>, vector<1x128xf32>
    %get3A_505 = vector.shape_cast %get3A_504 : vector<1x128xf32> to vector<128xf32>
    %broadcast_in_dim3A_506 = vector.shape_cast %get3A_505 : vector<128xf32> to vector<1x128xf32>
    %broadcast_in_dim3A_507 = vector.shape_cast %broadcast_in_dim3A_506 : vector<1x128xf32> to vector<1x128xf32>
    %broadcast_in_dim3A_508 = vector.broadcast %broadcast_in_dim3A_507 : vector<1x128xf32> to vector<2560x128xf32>
    %select_n3A_509 = arith.select %eq3A_501, %broadcast_in_dim3A_508, %select_n3A_498 : vector<2560x128xi1>, vector<2560x128xf32>
    %iota3A_510 = tpu.iota {dimensions = array<i32: 0>} : vector<2560x32xi32>
    %jit3A_511 = arith.constant 4 : i32
    %eq3A_512 = arith.constant 0 : i32
    %eq3A_513 = arith.cmpi eq, %jit3A_511, %eq3A_512 : i32
    %jit3A_514 = arith.constant 1 : i32
    %select_n3A_515 = arith.select %eq3A_513, %jit3A_514, %jit3A_511 : i32
    %rem3A_516 = vector.broadcast %select_n3A_515 : i32 to vector<2560x32xi32>
    %rem3A_517 = arith.remsi %iota3A_510, %rem3A_516 : vector<2560x32xi32>
    %ne3A_518 = arith.constant 0 : i32
    %ne3A_519 = vector.broadcast %ne3A_518 : i32 to vector<2560x32xi32>
    %ne3A_520 = arith.cmpi ne, %rem3A_517, %ne3A_519 : vector<2560x32xi32>
    %lt3A_521 = arith.constant 0 : i32
    %lt3A_522 = vector.broadcast %lt3A_521 : i32 to vector<2560x32xi32>
    %lt3A_523 = arith.cmpi slt, %rem3A_517, %lt3A_522 : vector<2560x32xi32>
    %lt3A_524 = arith.constant 0 : i32
    %lt3A_525 = arith.cmpi slt, %select_n3A_515, %lt3A_524 : i32
    %ne3A_526 = vector.broadcast %lt3A_525 : i1 to vector<2560x32xi1>
    %ne3A_527 = vector.broadcast %ne3A_526 : vector<2560x32xi1> to vector<2560x32xi1>
    %ne3A_528 = arith.xori %lt3A_523, %ne3A_527 : vector<2560x32xi1>
    %and3A_529 = arith.andi %ne3A_528, %ne3A_520 : vector<2560x32xi1>
    %add3A_530 = vector.broadcast %select_n3A_515 : i32 to vector<2560x32xi32>
    %add3A_531 = arith.addi %rem3A_517, %add3A_530 : vector<2560x32xi32>
    %select_n3A_532 = arith.select %and3A_529, %add3A_531, %rem3A_517 : vector<2560x32xi1>, vector<2560x32xi32>
    %jit3A_533 = arith.constant 2 : i32
    %div3A_534 = vector.broadcast %jit3A_533 : i32 to vector<2560x32xi32>
    %div3A_535 = arith.divsi %select_n3A_532, %div3A_534 : vector<2560x32xi32>
    %sign3A_536 = arith.constant 0 : i32
    %sign3A_537 = vector.broadcast %sign3A_536 : i32 to vector<2560x32xi32>
    %sign3A_538 = arith.cmpi sgt, %select_n3A_532, %sign3A_537 : vector<2560x32xi32>
    %sign3A_539 = arith.extui %sign3A_538 : vector<2560x32xi1> to vector<2560x32xi32>
    %sign3A_540 = arith.constant 0 : i32
    %sign3A_541 = vector.broadcast %sign3A_540 : i32 to vector<2560x32xi32>
    %sign3A_542 = arith.cmpi slt, %select_n3A_532, %sign3A_541 : vector<2560x32xi32>
    %sign3A_543 = arith.extui %sign3A_542 : vector<2560x32xi1> to vector<2560x32xi32>
    %sign3A_544 = arith.subi %sign3A_539, %sign3A_543 : vector<2560x32xi32>
    %sign3A_545 = arith.constant 0 : i32
    %sign3A_546 = arith.cmpi sgt, %jit3A_533, %sign3A_545 : i32
    %sign3A_547 = arith.extui %sign3A_546 : i1 to i32
    %sign3A_548 = arith.constant 0 : i32
    %sign3A_549 = arith.cmpi slt, %jit3A_533, %sign3A_548 : i32
    %sign3A_550 = arith.extui %sign3A_549 : i1 to i32
    %sign3A_551 = arith.subi %sign3A_547, %sign3A_550 : i32
    %ne3A_552 = vector.broadcast %sign3A_551 : i32 to vector<2560x32xi32>
    %ne3A_553 = arith.cmpi ne, %sign3A_544, %ne3A_552 : vector<2560x32xi32>
    %rem3A_554 = vector.broadcast %jit3A_533 : i32 to vector<2560x32xi32>
    %rem3A_555 = arith.remsi %select_n3A_532, %rem3A_554 : vector<2560x32xi32>
    %ne3A_556 = arith.constant 0 : i32
    %ne3A_557 = vector.broadcast %ne3A_556 : i32 to vector<2560x32xi32>
    %ne3A_558 = arith.cmpi ne, %rem3A_555, %ne3A_557 : vector<2560x32xi32>
    %and3A_559 = arith.andi %ne3A_553, %ne3A_558 : vector<2560x32xi1>
    %sub3A_560 = arith.constant 1 : i32
    %sub3A_561 = vector.broadcast %sub3A_560 : i32 to vector<2560x32xi32>
    %sub3A_562 = arith.subi %div3A_535, %sub3A_561 : vector<2560x32xi32>
    %select_n3A_563 = arith.select %and3A_559, %sub3A_562, %div3A_535 : vector<2560x32xi1>, vector<2560x32xi32>
    %eq3A_564 = arith.constant 1 : i32
    %eq3A_565 = vector.broadcast %eq3A_564 : i32 to vector<2560x32xi32>
    %eq3A_566 = arith.cmpi eq, %select_n3A_563, %eq3A_565 : vector<2560x32xi32>
    %get3A_567 = arith.constant 1 : index
    %get3A_568 = arith.constant 0 : index
    %get3A_569 = vector.load %arg4[%get3A_567, %get3A_568] : memref<2x32xf32, #tpu.memory_space<vmem>>, vector<1x32xf32>
    %get3A_570 = vector.shape_cast %get3A_569 : vector<1x32xf32> to vector<32xf32>
    %broadcast_in_dim3A_571 = vector.shape_cast %get3A_570 : vector<32xf32> to vector<1x32xf32>
    %get3A_572 = arith.constant 0 : index
    %get3A_573 = arith.constant 0 : index
    %get3A_574 = vector.load %arg4[%get3A_572, %get3A_573] : memref<2x32xf32, #tpu.memory_space<vmem>>, vector<1x32xf32>
    %get3A_575 = vector.shape_cast %get3A_574 : vector<1x32xf32> to vector<32xf32>
    %broadcast_in_dim3A_576 = vector.shape_cast %get3A_575 : vector<32xf32> to vector<1x32xf32>
    %broadcast_in_dim3A_577 = vector.shape_cast %broadcast_in_dim3A_571 : vector<1x32xf32> to vector<1x32xf32>
    %broadcast_in_dim3A_578 = vector.broadcast %broadcast_in_dim3A_577 : vector<1x32xf32> to vector<2560x32xf32>
    %broadcast_in_dim3A_579 = vector.shape_cast %broadcast_in_dim3A_576 : vector<1x32xf32> to vector<1x32xf32>
    %broadcast_in_dim3A_580 = vector.broadcast %broadcast_in_dim3A_579 : vector<1x32xf32> to vector<2560x32xf32>
    %select_n3A_581 = arith.select %eq3A_566, %broadcast_in_dim3A_578, %broadcast_in_dim3A_580 : vector<2560x32xi1>, vector<2560x32xf32>
    %jit3A_582 = arith.constant 2 : i32
    %eq3A_583 = arith.constant 0 : i32
    %eq3A_584 = arith.cmpi eq, %jit3A_582, %eq3A_583 : i32
    %jit3A_585 = arith.constant 1 : i32
    %select_n3A_586 = arith.select %eq3A_584, %jit3A_585, %jit3A_582 : i32
    %rem3A_587 = vector.broadcast %select_n3A_586 : i32 to vector<2560x32xi32>
    %rem3A_588 = arith.remsi %iota3A_510, %rem3A_587 : vector<2560x32xi32>
    %ne3A_589 = arith.constant 0 : i32
    %ne3A_590 = vector.broadcast %ne3A_589 : i32 to vector<2560x32xi32>
    %ne3A_591 = arith.cmpi ne, %rem3A_588, %ne3A_590 : vector<2560x32xi32>
    %lt3A_592 = arith.constant 0 : i32
    %lt3A_593 = vector.broadcast %lt3A_592 : i32 to vector<2560x32xi32>
    %lt3A_594 = arith.cmpi slt, %rem3A_588, %lt3A_593 : vector<2560x32xi32>
    %lt3A_595 = arith.constant 0 : i32
    %lt3A_596 = arith.cmpi slt, %select_n3A_586, %lt3A_595 : i32
    %ne3A_597 = vector.broadcast %lt3A_596 : i1 to vector<2560x32xi1>
    %ne3A_598 = vector.broadcast %ne3A_597 : vector<2560x32xi1> to vector<2560x32xi1>
    %ne3A_599 = arith.xori %lt3A_594, %ne3A_598 : vector<2560x32xi1>
    %and3A_600 = arith.andi %ne3A_599, %ne3A_591 : vector<2560x32xi1>
    %add3A_601 = vector.broadcast %select_n3A_586 : i32 to vector<2560x32xi32>
    %add3A_602 = arith.addi %rem3A_588, %add3A_601 : vector<2560x32xi32>
    %select_n3A_603 = arith.select %and3A_600, %add3A_602, %rem3A_588 : vector<2560x32xi1>, vector<2560x32xi32>
    %eq3A_604 = arith.constant 1 : i32
    %eq3A_605 = vector.broadcast %eq3A_604 : i32 to vector<2560x32xi32>
    %eq3A_606 = arith.cmpi eq, %select_n3A_603, %eq3A_605 : vector<2560x32xi32>
    %get3A_607 = arith.constant 1 : index
    %get3A_608 = arith.constant 0 : index
    %get3A_609 = vector.load %arg5[%get3A_607, %get3A_608] : memref<2x32xf32, #tpu.memory_space<vmem>>, vector<1x32xf32>
    %get3A_610 = vector.shape_cast %get3A_609 : vector<1x32xf32> to vector<32xf32>
    %broadcast_in_dim3A_611 = vector.shape_cast %get3A_610 : vector<32xf32> to vector<1x32xf32>
    %get3A_612 = arith.constant 0 : index
    %get3A_613 = arith.constant 0 : index
    %get3A_614 = vector.load %arg5[%get3A_612, %get3A_613] : memref<2x32xf32, #tpu.memory_space<vmem>>, vector<1x32xf32>
    %get3A_615 = vector.shape_cast %get3A_614 : vector<1x32xf32> to vector<32xf32>
    %broadcast_in_dim3A_616 = vector.shape_cast %get3A_615 : vector<32xf32> to vector<1x32xf32>
    %broadcast_in_dim3A_617 = vector.shape_cast %broadcast_in_dim3A_611 : vector<1x32xf32> to vector<1x32xf32>
    %broadcast_in_dim3A_618 = vector.broadcast %broadcast_in_dim3A_617 : vector<1x32xf32> to vector<2560x32xf32>
    %broadcast_in_dim3A_619 = vector.shape_cast %broadcast_in_dim3A_616 : vector<1x32xf32> to vector<1x32xf32>
    %broadcast_in_dim3A_620 = vector.broadcast %broadcast_in_dim3A_619 : vector<1x32xf32> to vector<2560x32xf32>
    %select_n3A_621 = arith.select %eq3A_606, %broadcast_in_dim3A_618, %broadcast_in_dim3A_620 : vector<2560x32xi1>, vector<2560x32xf32>
    %concatenate3A = tpu.concatenate %select_n3A_338, %select_n3A_581, %select_n3A_621, %select_n3A_395, %select_n3A_581, %select_n3A_621, %select_n3A_452, %select_n3A_581, %select_n3A_621, %select_n3A_509, %select_n3A_581, %select_n3A_621 in 1 : vector<2560x128xf32>, vector<2560x32xf32>, vector<2560x32xf32>, vector<2560x128xf32>, vector<2560x32xf32>, vector<2560x32xf32>, vector<2560x128xf32>, vector<2560x32xf32>, vector<2560x32xf32>, vector<2560x128xf32>, vector<2560x32xf32>, vector<2560x32xf32> -> vector<2560x768xf32>
    %swap3A_622 = arith.constant 0 : index
    %swap3A_623 = arith.constant 0 : index
    %swap3A_624 = vector.load %arg7[%swap3A_622, %swap3A_623] : memref<2560x768xf32, #tpu.memory_space<vmem>>, vector<2560x768xf32>
    tpu.vector_store %arg7[%swap3A_622, %swap3A_623], %concatenate3A {strides = array<i32>} : memref<2560x768xf32, #tpu.memory_space<vmem>>, vector<2560x768xf32>,
    return
  }
}

</mosaic_0001>

<sc_bundles>
// kernel: kernel.4.cloned.1.call-start
scs
__scs_entry_jumppad:
0x0: {  	(pc) =	sbr.rel $0x88, $3  }
0x1: {  	(tag) =	ssettag $0x0;
	lr =	simm.s32 $0x1  }
0x2: {  	[smem:$0x3F9B] =	sst lr;
	_ =	strace $0xD0000000  }
0x3: {  	_ = 	snop  }
0x4: {  	_ = 	snop  }
0x5: {  	_ = 	snop  }
0x6: {  	_ = 	snop  }
0x7: {  	_ = 	snop  }
__scs_overlays_trampoline_lowered:
0x8: {  	[smem:$0x3FAA] =	sst s0  }
0x9: {  	[smem:$0x3FAB] =	sst s1  }
0xa: {  	[smem:$0x3FAC] =	sst s2  }
0xb: {  	[smem:$0x3FAD] =	sst s3  }
0xc: {  	[smem:$0x3FAE] =	sst s4  }
0xd: {  	[smem:$0x3FAF] =	sst s5  }
0xe: {  	[smem:$0x3FB0] =	sst s6  }
0xf: {  	[smem:$0x3FB1] =	sst s7  }
0x10: {  	[smem:$0x3FB2] =	sst s8  }
0x11: {  	[smem:$0x3FB3] =	sst s9;
	s0 =	simm.s32 @!p0 $0x0  }
0x12: {  	s1 =	sld [smem:$0x3F99];
	s0 =	simm.s32 @p0 $0x1  }
0x13: {  	[smem:$0x3FB4] =	sst s0;
	s0 =	simm.s32 @!p1 $0x0  }
0x14: {  	s2 =	sld [smem:$0x3F98];
	s0 =	simm.s32 @p1 $0x1  }
0x15: {  	[smem:$0x3FB5] =	sst s0;
	s0 =	simm.s32 @!p2 $0x0  }
0x16: {  	s3 =	sld [smem:$0x3FDB];
	s0 =	simm.s32 @p2 $0x1  }
0x17: {  	s4 =	simm.s32 $0x1BF5;
	[smem:$0x3FB7] =	sst s0  }
0x18: {  	s0 =	sld [smem:$0x3F9A];
	_ =	swait.ge [sflag:s4], $0x0  }
0x19: {  	s7 =	sld [smem:$0x3F9B]  }
0x1a: {  	s8 =	sadd.s32 $0xFFFFE003, lr  }
0x1b: {  	s9 =	sadd.s32 $0xFFFFFEF7, lr;
	s5 =	simm.s32 $0xFFFFFFFF;
	p2 =	slt.u32 s8, $0xFFFFF086  }
0x1c: {  	p1 =	slt.u32 s9, $0xF7A;
	s5 =	simm.s32 @!p2 $0x0  }
0x1d: {  	s5 =	simm.s32 @p1 $0x1;
	p0 =	seq.s32 s7, s2  }
0x1e: {  	s7 =	smul.u32 @!p0 $0xF7A, s2;
	p2 =	seq.s32 @!p0 s5, $0x0  }
0x1f: {  	s9 =	smul.u32 $0xF7A, s1;
	s8 =	simm.s32 @!p0 $0x1BF5;
	p2 =	por !p2, p0  }
0x20: {  	[sflag:s8] =	ssyncset.s32 @!p0 $0xFFFFF086;
	s6 =	sadd.s32 @!p0 s3, s7;
	s7 =	simm.s32 @!p0 $0x108  }
0x21: {  	s3 =	sadd.s32 s3, s9;
	s6 =	sadd.s32 @!p0 $0x88, s6;
	s7 =	simm.s32 @p2 $0x1082  }
0x22: {  	[simem:s7], [sflag:s8] =	dma.local @!p0 [hbm:s6], $0xF7A  }
0x23: {  	s9 =	sor.u32 $0xD0000000, s2;
	s6 =	simm.s32 $0x108;
	_ =	swait.ge @!p0 [sflag:s8], $0x0  }
0x24: {  	s3 =	sadd.s32 $0x88, s3;
	s6 =	simm.s32 @!p1 $0x1082;
	[sflag:s4] =	ssyncset.s32 $0xFFFFF086  }
0x25: {  	[simem:s6], [sflag:s4] =	dma.local [hbm:s3], $0xF7A  }
0x26: {  	[smem:$0x3F9B] =	sst s1;
	(tag) =	ssettag s2;
	_ =	strace s9  }
0x27: {  	s1 =	sld [smem:$0x3FAB]  }
0x28: {  	s2 =	sld [smem:$0x3FAC]  }
0x29: {  	s4 =	sld [smem:$0x3FAE]  }
0x2a: {  	p0 =	seq.s32 s5, $0x0;
	s5 =	sld [smem:$0x3FAF]  }
0x2b: {  	s6 =	sld [smem:$0x3FB0]  }
0x2c: {  	s7 =	sld [smem:$0x3FB1]  }
0x2d: {  	s3 =	simm.s32 $0x108;
	s8 =	sld [smem:$0x3FB2]  }
0x2e: {  	s3 =	simm.s32 @!p0 $0x1082;
	s9 =	sld [smem:$0x3FB3]  }
0x2f: {  	lr =	sadd.s32 s0, s3;
	s0 =	sld [smem:$0x3FAA]  }
0x30: {  	s3 =	sld [smem:$0x3FAD]  }
0x31: {  	[smem:$0x3FB6] =	sst s10  }
0x32: {  	s10 =	sld [smem:$0x3FB4];
	_ =	sdelay $0x3  }
0x33: {  	p0 =	seq.s32 s10, $0x1;
	s10 =	sld [smem:$0x3FB6];
	_ =	sdelay $0x3  }
0x34: {  	[smem:$0x3FB6] =	sst s10  }
0x35: {  	s10 =	sld [smem:$0x3FB5];
	_ =	sdelay $0x3  }
0x36: {  	p1 =	seq.s32 s10, $0x1;
	s10 =	sld [smem:$0x3FB6];
	_ =	sdelay $0x3  }
0x37: {  	[smem:$0x3FB6] =	sst s10  }
0x38: {  	s10 =	sld [smem:$0x3FB7]  }
0x39: {  	_ = 	snop;
	(pc) =	sbr.ind lr, $3  }
0x3a: {  	_ = 	snop  }
0x3b: {  	_ = 	snop  }
0x3c: {  	p2 =	seq.s32 s10, $0x1;
	s10 =	sld [smem:$0x3FB6]  }
0x3d: {  	_ =	shalt  }
0x3e: {  	_ =	shalt  }
0x3f: {  	_ =	shalt  }
0x40: {  	_ =	shalt  }
0x41: {  	_ =	shalt  }
0x42: {  	_ =	shalt  }
0x43: {  	_ =	shalt  }
0x44: {  	_ =	shalt  }
0x45: {  	_ =	shalt  }
0x46: {  	_ =	shalt  }
0x47: {  	_ =	shalt  }
0x48: {  	_ =	shalt  }
0x49: {  	_ =	shalt  }
0x4a: {  	_ =	shalt  }
0x4b: {  	_ =	shalt  }
0x4c: {  	_ =	shalt  }
0x4d: {  	_ =	shalt  }
0x4e: {  	_ =	shalt  }
0x4f: {  	_ =	shalt  }
0x50: {  	_ =	shalt  }
0x51: {  	_ =	shalt  }
0x52: {  	_ =	shalt  }
0x53: {  	_ =	shalt  }
0x54: {  	_ =	shalt  }
0x55: {  	_ =	shalt  }
0x56: {  	_ =	shalt  }
0x57: {  	_ =	shalt  }
0x58: {  	_ =	shalt  }
0x59: {  	_ =	shalt  }
0x5a: {  	_ =	shalt  }
0x5b: {  	_ =	shalt  }
0x5c: {  	_ =	shalt  }
0x5d: {  	_ =	shalt  }
0x5e: {  	_ =	shalt  }
0x5f: {  	_ =	shalt  }
0x60: {  	_ =	shalt  }
0x61: {  	_ =	shalt  }
0x62: {  	_ =	shalt  }
0x63: {  	_ =	shalt  }
0x64: {  	_ =	shalt  }
0x65: {  	_ =	shalt  }
0x66: {  	_ =	shalt  }
0x67: {  	_ =	shalt  }
0x68: {  	_ =	shalt  }
0x69: {  	_ =	shalt  }
0x6a: {  	_ =	shalt  }
0x6b: {  	_ =	shalt  }
0x6c: {  	_ =	shalt  }
0x6d: {  	_ =	shalt  }
0x6e: {  	_ =	shalt  }
0x6f: {  	_ =	shalt  }
0x70: {  	_ =	shalt  }
0x71: {  	_ =	shalt  }
0x72: {  	_ =	shalt  }
0x73: {  	_ =	shalt  }
0x74: {  	_ =	shalt  }
0x75: {  	_ =	shalt  }
0x76: {  	_ =	shalt  }
0x77: {  	_ =	shalt  }
0x78: {  	_ =	shalt  }
0x79: {  	_ =	shalt  }
0x7a: {  	_ =	shalt  }
0x7b: {  	_ =	shalt  }
0x7c: {  	_ =	shalt  }
0x7d: {  	_ =	shalt  }
0x7e: {  	_ =	shalt  }
0x7f: {  	_ =	shalt  }
0x80: {  	_ =	shalt  }
0x81: {  	_ =	shalt  }
0x82: {  	_ =	shalt  }
0x83: {  	_ =	shalt  }
0x84: {  	_ =	shalt  }
0x85: {  	_ =	shalt  }
0x86: {  	_ =	shalt  }
0x87: {  	_ =	shalt  }
.Lfunc_end0:
.L_simem_size_0:
called_computation.1_lowered:
.L_overlay_start_0:
0x88: {  	s2 =	sld [smem:$0x3FD9]  }
0x89: {  	s3 =	sld [smem:$0x3FFE];
	_ =	sdelay $0x1  }
0x8a: {  	s1 =	srdreg.scid  }
0x8b: {  	s0 =	sand.u32 $0x1, s1  }
0x8c: {  	s17 =	sshll.u32 s0, $0xA;
	s2 =	sadd.s32 s3, s2  }
0x8d: {  	s2 =	sadd.s32 s2, s17  }
0x8e: {  	[smem:$0x3FC2] =	sst s2  }
0x8f: {  	_ = 	snop  }
0x90: {  	s2 =	sld [smem:$0x3FD0];
	(tm) =	ssettm $0x1  }
0x91: {  	s18 =	sld [smem:$0x3FFB];
	_ =	sdelay $0x3  }
0x92: {  	_ =	strace s18  }
0x93: {  	s3 =	sld [smem:$0x3FFC];
	_ =	sdelay $0x3  }
0x94: {  	_ =	strace s3  }
0x95: {  	s3 =	sld [smem:$0x3FFD];
	_ =	sdelay $0x3  }
0x96: {  	_ =	strace s3  }
0x97: {  	_ =	strace $0x8FFFFFFF  }
0x98: {  	s19 =	sld [smem:$0x3FDB];
	_ =	sdelay $0x1  }
0x99: {  	s4 =	simm.s32 $_scs_section_size  }
0x9a: {  	s5 =	simm.s32 $_size__tile_overlayer_lowered;
	s6 =	simm.s32 $_tile_overlayer_lowered  }
0x9b: {  	s22 =	simm.s32 $0x1BFF;
	s21 =	sshll.u32 s6, $0x1;
	s3 =	sadd.s32 s4, s19  }
0x9c: {  	s7 =	simm.s32 $0x0;
	s20 =	sshll.u32 s5, $0x1;
	s5 =	sadd.s32 s21, s3  }
0x9d: {  	[timem:s7], [sflag:s22] =	dma.local [hbm:s5], s20  }
0x9e: {  	_ =	swait.ge [sflag:s22], s20  }
0x9f: {  	s4 =	ssub.s32 $0x0, s20;
	[sflag:s22] =	ssyncset.done $0x0  }
0xa0: {  	[sflag:s22] =	ssyncadd.s32 s4;
	_ =	sdelay $0x1  }
0xa1: {  	s23 =	simm.s32 $0x1B8B  }
0xa2: {  	_ =	swait.ge [sflag:s23], $0x1  }
0xa3: {  	[sflag:s23] =	ssyncset.done $0x0  }
0xa4: {  	s25 =	simm.s32 $0x1B8E;
	s24 =	sld [smem:$0x3FFE];
	[sflag:s23] =	ssyncadd.s32 $0xFFFFFFFF  }
0xa5: {  	s26 =	simm.s32 $execute0_lowered;
	[smem:$0x3FD2] =	sst s25  }
0xa6: {  	s5 =	sshll.u32 s26, $0x1;
	_ =	strace $0x80000046;
	[dreg:$0x1] =	wrdreg $0xFFFFFFFF  }
0xa7: {  	s28 =	simm.s32 $_size_execute0_lowered;
	s3 =	sadd.s32 s3, s5;
	[dreg:$0x0] =	wrdreg $0x0  }
0xa8: {  	s5 =	sshll.u32 s28, $0x1;
	[dreg:$0x2] =	wrdreg s3  }
0xa9: {  	[dreg:$0x3] =	wrdreg s5  }
0xaa: {  	[dreg:$0x4] =	wrdreg $0xC0  }
0xab: {  	_ =	task [dreg:s7], $0x5FFFF  }
0xac: {  	[dreg:$0x1] =	wrdreg $0xFFFFFFFF  }
0xad: {  	[dreg:$0x0] =	wrdreg $0x60  }
0xae: {  	[dreg:$0x2] =	wrdreg s24  }
0xaf: {  	[dreg:$0x3] =	wrdreg s2  }
0xb0: {  	[dreg:$0x4] =	wrdreg $0x9  }
0xb1: {  	_ =	task.clear_ibuf [dreg:s7], $0x5FFFF;
	_ =	strace $0x90000046  }
0xb2: {  	s29 =	simm.s32 $0x9;
	_ =	strace $0x80000048  }
0xb3: {  	_ =	swait.ge [sflag:s29], $0x1  }
0xb4: {  	[sflag:s29] =	ssyncadd.s32 $0xFFFFFFFF  }
0xb5: {  	_ =	strace $0x90000048  }
0xb6: {  	_ =	sfence  }
0xb7: {  	s30 =	sld [smem:$0x0];
	_ =	sdelay $0x2  }
0xb8: {  	s31 =	sshll.u32 s1, $0xD;
	s1 =	sshrl.u32 s1, $0x2  }
0xb9: {  	s3 =	sand.u32 $0x4000, s31;
	s1 =	sadd.s32 s1, s30  }
0xba: {  	s0 =	sor.u32 s3, s0;
	s1 =	sshll.u32 s1, $0x11  }
0xbb: {  	s0 =	sor.u32 s1, s0  }
0xbc: {  	s0 =	sadd.s32 $0x8F2B, s0  }
0xbd: {  	[sflag:s0] =	ssyncadd.remote.s32 $0x1  }
0xbe: {  	_ =	sfence.sel $0xFFFF  }
0xbf: {  	[dreg:$0x0] =	wrdreg $0xFFFFFFFF;
	(pc) =	sbr.abs _section_cstart, $3  }
0xc0: {  	[dreg:$0x1] =	wrdreg $0xFFFFFFFF  }
0xc1: {  	_ =	task.clear_ibuf [dreg:s7], $0x2FFFF;
	_ =	strace $0x9FFFFFFF  }
0xc2: {  	(tm) =	ssettm $0x7FFFFFFF  }
0xc3: {  	_ =	shalt  }
tec
execute0_lowered:
.L_overlay_start_1:
0x0: {  	(tag) =	ssettag $0x1  }
0x1: {  	s0 =	srdreg.scid;
	s4 =	rddreg [dreg:$0x0]  }
0x2: {  	s5 =	stileid.u32;
	s7 =	rddreg [dreg:$0x1]  }
0x3: {  	s2 =	simm.s32 $0x0;
	s31 =	simm.s32 $0x3400;
	s15 =	simm.s32 $0x3C00  }
0x4: {  	s14 =	simm.s32 $0x4400;
	s16 =	simm.s32 $0x4C00;
	s17 =	simm.s32 $0x5400  }
0x5: {  	s18 =	simm.s32 $0x5C00;
	s19 =	simm.s32 $0x6400;
	s20 =	simm.s32 $0x6C00  }
0x6: {  	s28 =	simm.s32 $0xA400;
	s29 =	simm.s32 $0xAC00;
	s30 =	simm.s32 $0xB400  }
0x7: {  	s11 =	simm.s32 $0xD400;
	s12 =	simm.s32 $0x4;
	s13 =	simm.s32 $0x0  }
0x8: {  	s0 =	sand.u32 $0x1, s0;
	s1 =	sshll.u32 s5, $0x1;
	s5 =	smul.u32 $0x3200, s5  }
0x9: {  	[smem:$0x7FF] =	sst s2;
	s1 =	sor.u32 s0, s1;
	s6 =	smul.u32 $0x1900, s0  }
0xa: {  	_ =	strace $0x80000047;
	s0 =	ssub.s32 $0x2, s0;
	s3 =	smul.u32 $0x680, s1  }
0xb: {  	[dreg:$0x9] =	wrdreg s13;
	s1 =	smul.u32 $0x1900, s1;
	s9 =	sshrl.u32 s0, $0x1  }
0xc: {  	s5 =	sadd.s32 s6, s5;
	s0 =	ssub.s32 s0, s9;
	s9 =	simm.s32 $0x1  }
0xd: {  	s8 =	sadd.s32 s3, s4;
	s3 =	sadd.s32 $0x1400, s4;
	s1 =	sshrl.u32 s1, $0x3  }
0xe: {  	s6 =	sor.u32 $0x80, s5;
	s5 =	sor.u32 $0x40, s5;
	s0 =	smax.u32 s0, $0x1  }
0xf: {  	s1 =	smul.u32 $0x300, s1;
	s6 =	sshrl.u32 s6, $0x3;
	s5 =	sshrl.u32 s5, $0x3  }
0x10: {  	s21 =	sadd.s32 $0x3D400, s8;
	[dreg:$0x8] =	wrdreg s0;
	s0 =	simm.s32 $0xC400  }
0x11: {  	s8 =	simm.s32 $0x2;
	s10 =	smul.u32 $0x300, s6;
	[dreg:$0x5] =	wrdreg s21  }
0x12: {  	s22 =	smul.u32 $0x300, s5;
	s5 =	sadd.s32 $0x1500, s4;
	s6 =	sadd.s32 $0x1600, s4  }
0x13: {  	s21 =	simm.s32 $0x7400;
	s4 =	simm.s32 $0xCC00;
	s24 =	sadd.s32 s7, s1  }
0x14: {  	s1 =	simm.s32 $0xF400;
	s23 =	sadd.s32 s10, s7;
	[dreg:$0x6] =	wrdreg s24  }
0x15: {  	s25 =	sadd.s32 s22, s7;
	s26 =	sadd.s32 $0x94800, s24;
	[dreg:$0x3] =	wrdreg s23  }
0x16: {  	v2 =	vlaneseq.u32;
	s22 =	simm.s32 $0x7C00;
	s24 =	simm.s32 $0x8C00;
	[dreg:$0x7] =	wrdreg s26  }
0x17: {  	vm0 =	vmmov $0xffff;
	v1 =	vshrl.u32 v2, $0x3;
	s7 =	simm.s32 $0xBC00;
	s10 =	simm.s32 $0x3;
	[dreg:$0x4] =	wrdreg s25  }
0x18: {  	v0 =	vand.u32 $0x7, v2;
	v2 =	vor.u32 $0x8, v2;
	v1 =	vmul.u32 $0x8, v1;
	s23 =	simm.s32 $0x8400;
	s25 =	simm.s32 $0x9400;
	s26 =	simm.s32 $0x9C00  }
.LBB2_1:
0x19: {  	s13 =	rddreg [dreg:$0x5]  }
0x1a: {  	[tilespmem:s2], [sflag:$0x5] =	stream.linear.gather [hbm4b:s13+s2], $0x3200, $0x38;
	[tilespmem:$0x1B400] =	vst v63  }
0x1b: {  	s13 =	simm.s32 $0x5  }
0x1c: {  	_ =	swait.ge [sflag:s13], $0x3200  }
0x1d: {  	[sflag:s13] =	ssyncset.done $0x0  }
0x1e: {  	[sflag:s13] =	ssyncadd.s32 $0xFFFFCE00  }
0x1f: {  	v3 =	vld [tilespmem:$0x0];
	_ =	sdelay $0x4  }
0x20: {  	v4 =	vshrl.u32 v3, $0x3  }
0x21: {  	v4 =	vmul.u32 $0x30, v4  }
0x22: {  	v3 =	vand.u32 $0x7, v3  }
0x23: {  	v3 =	vor.u32 v3, v4  }
0x24: {  	v4 =	vperm.xlane v3, v0;
	_ =	sdelay $0x1  }
0x25: {  	v4 =	vadd.s32 v1, v4;
	_ =	sdelay $0x3  }
0x26: {  	v3 =	vperm.xlane v3, v2  }
0x27: {  	[tilespmem:s31], [sflag:$0x1] =	stream.indirect_vreg.gather [hbm4b:s3+s2], $0x80, v4, vm0, $0xb8;
	[tilespmem:$0x1B400] =	vst v63  }
0x28: {  	v3 =	vadd.s32 v1, v3  }
0x29: {  	[tilespmem:s15], [sflag:$0x1] =	stream.indirect_vreg.gather [hbm4b:s5+s2], $0x80, v4, vm0, $0xb8;
	[tilespmem:$0x1B400] =	vst v63  }
0x2a: {  	_ = 	snop  }
0x2b: {  	[tilespmem:s14], [sflag:$0x1] =	stream.indirect_vreg.gather [hbm4b:s6+s2], $0x80, v4, vm0, $0xb8;
	[tilespmem:$0x1B400] =	vst v63  }
0x2c: {  	_ = 	snop  }
0x2d: {  	[tilespmem:s16], [sflag:$0x1] =	stream.indirect_vreg.gather [hbm4b:s3+s2], $0x80, v3, vm0, $0xb8;
	[tilespmem:$0x1B400] =	vst v63  }
0x2e: {  	_ = 	snop  }
0x2f: {  	[tilespmem:s17], [sflag:$0x1] =	stream.indirect_vreg.gather [hbm4b:s5+s2], $0x80, v3, vm0, $0xb8;
	[tilespmem:$0x1B400] =	vst v63  }
0x30: {  	_ = 	snop  }
0x31: {  	[tilespmem:s18], [sflag:$0x1] =	stream.indirect_vreg.gather [hbm4b:s6+s2], $0x80, v3, vm0, $0xb8;
	[tilespmem:$0x1B400] =	vst v63  }
0x32: {  	v3 =	vld [tilespmem:$0x10];
	_ =	sdelay $0x4  }
0x33: {  	v57 =	vshrl.u32 v3, $0x3  }
0x34: {  	v4 =	vmul.u32 $0x30, v57  }
0x35: {  	v3 =	vand.u32 $0x7, v3  }
0x36: {  	v3 =	vor.u32 v3, v4  }
0x37: {  	v4 =	vperm.xlane v3, v0;
	_ =	sdelay $0x1  }
0x38: {  	v4 =	vadd.s32 v1, v4;
	_ =	sdelay $0x3  }
0x39: {  	v3 =	vperm.xlane v3, v2  }
0x3a: {  	[tilespmem:s19], [sflag:$0x1] =	stream.indirect_vreg.gather [hbm4b:s3+s2], $0x80, v4, vm0, $0xb8;
	[tilespmem:$0x1B400] =	vst v63  }
0x3b: {  	v3 =	vadd.s32 v1, v3  }
0x3c: {  	[tilespmem:s20], [sflag:$0x1] =	stream.indirect_vreg.gather [hbm4b:s5+s2], $0x80, v4, vm0, $0xb8;
	[tilespmem:$0x1B400] =	vst v63  }
0x3d: {  	_ = 	snop  }
0x3e: {  	[tilespmem:s21], [sflag:$0x1] =	stream.indirect_vreg.gather [hbm4b:s6+s2], $0x80, v4, vm0, $0xb8;
	[tilespmem:$0x1B400] =	vst v63  }
0x3f: {  	_ = 	snop  }
0x40: {  	[tilespmem:s22], [sflag:$0x1] =	stream.indirect_vreg.gather [hbm4b:s3+s2], $0x80, v3, vm0, $0xb8;
	[tilespmem:$0x1B400] =	vst v63  }
0x41: {  	_ = 	snop  }
0x42: {  	[tilespmem:s23], [sflag:$0x1] =	stream.indirect_vreg.gather [hbm4b:s5+s2], $0x80, v3, vm0, $0xb8;
	[tilespmem:$0x1B400] =	vst v63  }
0x43: {  	_ = 	snop  }
0x44: {  	[tilespmem:s24], [sflag:$0x1] =	stream.indirect_vreg.gather [hbm4b:s6+s2], $0x80, v3, vm0, $0xb8;
	[tilespmem:$0x1B400] =	vst v63  }
0x45: {  	v3 =	vld [tilespmem:$0x20];
	_ =	sdelay $0x4  }
0x46: {  	v58 =	vshrl.u32 v3, $0x3  }
0x47: {  	v4 =	vmul.u32 $0x30, v58  }
0x48: {  	v3 =	vand.u32 $0x7, v3  }
0x49: {  	v3 =	vor.u32 v3, v4  }
0x4a: {  	v4 =	vperm.xlane v3, v0;
	_ =	sdelay $0x1  }
0x4b: {  	v4 =	vadd.s32 v1, v4;
	_ =	sdelay $0x3  }
0x4c: {  	v3 =	vperm.xlane v3, v2  }
0x4d: {  	[tilespmem:s25], [sflag:$0x1] =	stream.indirect_vreg.gather [hbm4b:s3+s2], $0x80, v4, vm0, $0xb8;
	[tilespmem:$0x1B400] =	vst v63  }
0x4e: {  	v3 =	vadd.s32 v1, v3  }
0x4f: {  	[tilespmem:s26], [sflag:$0x1] =	stream.indirect_vreg.gather [hbm4b:s5+s2], $0x80, v4, vm0, $0xb8;
	[tilespmem:$0x1B400] =	vst v63  }
0x50: {  	_ = 	snop  }
0x51: {  	[tilespmem:s28], [sflag:$0x1] =	stream.indirect_vreg.gather [hbm4b:s6+s2], $0x80, v4, vm0, $0xb8;
	[tilespmem:$0x1B400] =	vst v63  }
0x52: {  	_ = 	snop  }
0x53: {  	[tilespmem:s29], [sflag:$0x1] =	stream.indirect_vreg.gather [hbm4b:s3+s2], $0x80, v3, vm0, $0xb8;
	[tilespmem:$0x1B400] =	vst v63  }
0x54: {  	_ = 	snop  }
0x55: {  	[tilespmem:s30], [sflag:$0x1] =	stream.indirect_vreg.gather [hbm4b:s5+s2], $0x80, v3, vm0, $0xb8;
	[tilespmem:$0x1B400] =	vst v63  }
0x56: {  	_ = 	snop  }
0x57: {  	[tilespmem:s7], [sflag:$0x1] =	stream.indirect_vreg.gather [hbm4b:s6+s2], $0x80, v3, vm0, $0xb8;
	[tilespmem:$0x1B400] =	vst v63  }
0x58: {  	v3 =	vld [tilespmem:$0x30];
	_ =	sdelay $0x4  }
0x59: {  	v59 =	vshrl.u32 v3, $0x3  }
0x5a: {  	v4 =	vmul.u32 $0x30, v59  }
0x5b: {  	v3 =	vand.u32 $0x7, v3  }
0x5c: {  	v3 =	vor.u32 v3, v4  }
0x5d: {  	v4 =	vperm.xlane v3, v0;
	_ =	sdelay $0x1  }
0x5e: {  	v4 =	vadd.s32 v1, v4;
	_ =	sdelay $0x3  }
0x5f: {  	v3 =	vperm.xlane v3, v2  }
0x60: {  	[tilespmem:s0], [sflag:$0x1] =	stream.indirect_vreg.gather [hbm4b:s3+s2], $0x80, v4, vm0, $0xb8;
	[tilespmem:$0x1B400] =	vst v63  }
0x61: {  	v3 =	vadd.s32 v1, v3  }
0x62: {  	[tilespmem:s4], [sflag:$0x1] =	stream.indirect_vreg.gather [hbm4b:s5+s2], $0x80, v4, vm0, $0xb8;
	[tilespmem:$0x1B400] =	vst v63  }
0x63: {  	_ = 	snop  }
0x64: {  	[tilespmem:s11], [sflag:$0x1] =	stream.indirect_vreg.gather [hbm4b:s6+s2], $0x80, v4, vm0, $0xb8;
	[tilespmem:$0x1B400] =	vst v63  }
0x65: {  	s20 =	simm.s32 $0xDC00  }
0x66: {  	[tilespmem:s20], [sflag:$0x1] =	stream.indirect_vreg.gather [hbm4b:s3+s2], $0x80, v3, vm0, $0xb8;
	[tilespmem:$0x1B400] =	vst v63  }
0x67: {  	s21 =	simm.s32 $0xE400  }
0x68: {  	[tilespmem:s21], [sflag:$0x1] =	stream.indirect_vreg.gather [hbm4b:s5+s2], $0x80, v3, vm0, $0xb8;
	[tilespmem:$0x1B400] =	vst v63  }
0x69: {  	s22 =	simm.s32 $0xEC00  }
0x6a: {  	[tilespmem:s22], [sflag:$0x1] =	stream.indirect_vreg.gather [hbm4b:s6+s2], $0x80, v3, vm0, $0xb8;
	[tilespmem:$0x1B400] =	vst v63  }
0x6b: {  	_ =	swait.ge [sflag:s9], $0xC000  }
0x6c: {  	[sflag:s9] =	ssyncset.done $0x0  }
0x6d: {  	[sflag:s9] =	ssyncadd.s32 $0xFFFF4000  }
0x6e: {  	v3 =	vld [tilespmem:$0x80];
	_ =	sdelay $0x4  }
0x6f: {  	v60 =	vshrl.u32 v3, $0x3  }
0x70: {  	v4 =	vmul.u32 $0x30, v60  }
0x71: {  	v3 =	vand.u32 $0x7, v3  }
0x72: {  	v3 =	vor.u32 v3, v4  }
0x73: {  	v4 =	vperm.xlane v3, v0;
	_ =	sdelay $0x1  }
0x74: {  	v4 =	vadd.s32 v1, v4;
	_ =	sdelay $0x3  }
0x75: {  	v3 =	vperm.xlane v3, v2  }
0x76: {  	[tilespmem:s1], [sflag:$0x2] =	stream.indirect_vreg.gather [hbm4b:s3+s2], $0x80, v4, vm0, $0xb8;
	[tilespmem:$0x1B400] =	vst v63  }
0x77: {  	s23 =	simm.s32 $0xFC00;
	v3 =	vadd.s32 v1, v3  }
0x78: {  	[tilespmem:s23], [sflag:$0x2] =	stream.indirect_vreg.gather [hbm4b:s5+s2], $0x80, v4, vm0, $0xb8;
	[tilespmem:$0x1B400] =	vst v63  }
0x79: {  	s24 =	simm.s32 $0x10400  }
0x7a: {  	[tilespmem:s24], [sflag:$0x2] =	stream.indirect_vreg.gather [hbm4b:s6+s2], $0x80, v4, vm0, $0xb8;
	[tilespmem:$0x1B400] =	vst v63  }
0x7b: {  	s25 =	simm.s32 $0x10C00  }
0x7c: {  	[tilespmem:s25], [sflag:$0x2] =	stream.indirect_vreg.gather [hbm4b:s3+s2], $0x80, v3, vm0, $0xb8;
	[tilespmem:$0x1B400] =	vst v63  }
0x7d: {  	s26 =	simm.s32 $0x11400  }
0x7e: {  	[tilespmem:s26], [sflag:$0x2] =	stream.indirect_vreg.gather [hbm4b:s5+s2], $0x80, v3, vm0, $0xb8;
	[tilespmem:$0x1B400] =	vst v63  }
0x7f: {  	s1 =	simm.s32 $0x11C00  }
0x80: {  	[tilespmem:s1], [sflag:$0x2] =	stream.indirect_vreg.gather [hbm4b:s6+s2], $0x80, v3, vm0, $0xb8;
	[tilespmem:$0x1B400] =	vst v63  }
0x81: {  	v3 =	vld [tilespmem:$0x90];
	_ =	sdelay $0x4  }
0x82: {  	v61 =	vshrl.u32 v3, $0x3  }
0x83: {  	v4 =	vmul.u32 $0x30, v61  }
0x84: {  	v3 =	vand.u32 $0x7, v3  }
0x85: {  	v3 =	vor.u32 v3, v4  }
0x86: {  	v4 =	vperm.xlane v3, v0;
	_ =	sdelay $0x1  }
0x87: {  	v4 =	vadd.s32 v1, v4;
	_ =	sdelay $0x3  }
0x88: {  	s4 =	simm.s32 $0x12400;
	v3 =	vperm.xlane v3, v2  }
0x89: {  	[tilespmem:s4], [sflag:$0x2] =	stream.indirect_vreg.gather [hbm4b:s3+s2], $0x80, v4, vm0, $0xb8;
	[tilespmem:$0x1B400] =	vst v63  }
0x8a: {  	s7 =	simm.s32 $0x12C00;
	v3 =	vadd.s32 v1, v3  }
0x8b: {  	[tilespmem:s7], [sflag:$0x2] =	stream.indirect_vreg.gather [hbm4b:s5+s2], $0x80, v4, vm0, $0xb8;
	[tilespmem:$0x1B400] =	vst v63  }
0x8c: {  	s11 =	simm.s32 $0x13400  }
0x8d: {  	[tilespmem:s11], [sflag:$0x2] =	stream.indirect_vreg.gather [hbm4b:s6+s2], $0x80, v4, vm0, $0xb8;
	[tilespmem:$0x1B400] =	vst v63  }
0x8e: {  	s13 =	simm.s32 $0x13C00  }
0x8f: {  	[tilespmem:s13], [sflag:$0x2] =	stream.indirect_vreg.gather [hbm4b:s3+s2], $0x80, v3, vm0, $0xb8;
	[tilespmem:$0x1B400] =	vst v63  }
0x90: {  	s14 =	simm.s32 $0x14400  }
0x91: {  	[tilespmem:s14], [sflag:$0x2] =	stream.indirect_vreg.gather [hbm4b:s5+s2], $0x80, v3, vm0, $0xb8;
	[tilespmem:$0x1B400] =	vst v63  }
0x92: {  	s16 =	simm.s32 $0x14C00  }
0x93: {  	[tilespmem:s16], [sflag:$0x2] =	stream.indirect_vreg.gather [hbm4b:s6+s2], $0x80, v3, vm0, $0xb8;
	[tilespmem:$0x1B400] =	vst v63  }
0x94: {  	v3 =	vld [tilespmem:$0xA0];
	_ =	sdelay $0x4  }
0x95: {  	v62 =	vshrl.u32 v3, $0x3  }
0x96: {  	v4 =	vmul.u32 $0x30, v62  }
0x97: {  	v3 =	vand.u32 $0x7, v3  }
0x98: {  	v3 =	vor.u32 v3, v4  }
0x99: {  	v4 =	vperm.xlane v3, v0;
	_ =	sdelay $0x1  }
0x9a: {  	v4 =	vadd.s32 v1, v4;
	_ =	sdelay $0x3  }
0x9b: {  	s17 =	simm.s32 $0x15400;
	v3 =	vperm.xlane v3, v2  }
0x9c: {  	[tilespmem:s17], [sflag:$0x2] =	stream.indirect_vreg.gather [hbm4b:s3+s2], $0x80, v4, vm0, $0xb8;
	[tilespmem:$0x1B400] =	vst v63  }
0x9d: {  	s18 =	simm.s32 $0x15C00;
	v3 =	vadd.s32 v1, v3  }
0x9e: {  	[tilespmem:s18], [sflag:$0x2] =	stream.indirect_vreg.gather [hbm4b:s5+s2], $0x80, v4, vm0, $0xb8;
	[tilespmem:$0x1B400] =	vst v63  }
0x9f: {  	s19 =	simm.s32 $0x16400  }
0xa0: {  	[tilespmem:s19], [sflag:$0x2] =	stream.indirect_vreg.gather [hbm4b:s6+s2], $0x80, v4, vm0, $0xb8;
	[tilespmem:$0x1B400] =	vst v63  }
0xa1: {  	s20 =	simm.s32 $0x16C00  }
0xa2: {  	[tilespmem:s20], [sflag:$0x2] =	stream.indirect_vreg.gather [hbm4b:s3+s2], $0x80, v3, vm0, $0xb8;
	[tilespmem:$0x1B400] =	vst v63  }
0xa3: {  	s21 =	simm.s32 $0x17400  }
0xa4: {  	[tilespmem:s21], [sflag:$0x2] =	stream.indirect_vreg.gather [hbm4b:s5+s2], $0x80, v3, vm0, $0xb8;
	[tilespmem:$0x1B400] =	vst v63  }
0xa5: {  	s22 =	simm.s32 $0x17C00  }
0xa6: {  	[tilespmem:s22], [sflag:$0x2] =	stream.indirect_vreg.gather [hbm4b:s6+s2], $0x80, v3, vm0, $0xb8;
	[tilespmem:$0x1B400] =	vst v63  }
0xa7: {  	v3 =	vld [tilespmem:$0xB0];
	_ =	sdelay $0x4  }
0xa8: {  	v63 =	vshrl.u32 v3, $0x3  }
0xa9: {  	v4 =	vmul.u32 $0x30, v63  }
0xaa: {  	v3 =	vand.u32 $0x7, v3  }
0xab: {  	v3 =	vor.u32 v3, v4  }
0xac: {  	v4 =	vperm.xlane v3, v0;
	_ =	sdelay $0x1  }
0xad: {  	v4 =	vadd.s32 v1, v4;
	_ =	sdelay $0x3  }
0xae: {  	s28 =	simm.s32 $0x9C00;
	s29 =	simm.s32 $0xA400;
	s23 =	simm.s32 $0x18400;
	v3 =	vperm.xlane v3, v2  }
0xaf: {  	[tilespmem:s23], [sflag:$0x2] =	stream.indirect_vreg.gather [hbm4b:s3+s2], $0x80, v4, vm0, $0xb8;
	[tilespmem:$0x1B400] =	vst v63  }
0xb0: {  	s30 =	simm.s32 $0xAC00;
	s0 =	simm.s32 $0xC400;
	s24 =	simm.s32 $0x18C00;
	v3 =	vadd.s32 v1, v3  }
0xb1: {  	[tilespmem:s24], [sflag:$0x2] =	stream.indirect_vreg.gather [hbm4b:s5+s2], $0x80, v4, vm0, $0xb8;
	[tilespmem:$0x1B400] =	vst v63  }
0xb2: {  	s25 =	simm.s32 $0x19400;
	s26 =	rddreg [dreg:$0x6];
	s4 =	simm.s32 $0xCC00  }
0xb3: {  	[tilespmem:s25], [sflag:$0x2] =	stream.indirect_vreg.gather [hbm4b:s6+s2], $0x80, v4, vm0, $0xb8;
	[tilespmem:$0x1B400] =	vst v63  }
0xb4: {  	s7 =	simm.s32 $0x3400;
	s11 =	simm.s32 $0xD400;
	s19 =	simm.s32 $0x19C00  }
0xb5: {  	[tilespmem:s19], [sflag:$0x2] =	stream.indirect_vreg.gather [hbm4b:s3+s2], $0x80, v3, vm0, $0xb8;
	[tilespmem:$0x1B400] =	vst v63  }
0xb6: {  	s13 =	simm.s32 $0x1B0;
	s14 =	simm.s32 $0x0;
	s21 =	simm.s32 $0x1A400  }
0xb7: {  	[tilespmem:s21], [sflag:$0x2] =	stream.indirect_vreg.gather [hbm4b:s5+s2], $0x80, v3, vm0, $0xb8;
	[tilespmem:$0x1B400] =	vst v63  }
0xb8: {  	s16 =	simm.s32 $0x4400;
	s18 =	simm.s32 $0x5400;
	s23 =	simm.s32 $0x1AC00  }
0xb9: {  	[tilespmem:s23], [sflag:$0x2] =	stream.indirect_vreg.gather [hbm4b:s6+s2], $0x80, v3, vm0, $0xb8;
	[tilespmem:$0x1B400] =	vst v63  }
0xba: {  	s20 =	simm.s32 $0x6400;
	s22 =	simm.s32 $0x7400;
	s24 =	simm.s32 $0x8400  }
0xbb: {  	[hbm4b:s26+s2] =	stream.linear.scatter [tilespmem:s31], [sflag:$0x3], $0xC000, $0x38;
	[tilespmem:$0x1B400] =	vst v63  }
0xbc: {  	s25 =	simm.s32 $0x8C00;
	s31 =	simm.s32 $0xB400;
	s26 =	simm.s32 $0x9400  }
.LBB2_2:
0xbd: {  	_ =	swait.ge [sflag:s8], $0xC000  }
0xbe: {  	[sflag:s8] =	ssyncset.done $0x0  }
0xbf: {  	[sflag:s8] =	ssyncadd.s32 $0xFFFF4000  }
0xc0: {  	_ =	swait.ge [sflag:s10], $0xC000  }
0xc1: {  	[sflag:s10] =	ssyncset.done $0x0  }
0xc2: {  	[sflag:s10] =	ssyncadd.s32 $0xFFFF4000  }
0xc3: {  	v3 =	vld [tilespmem:s13+$0xFFFFFF50];
	_ =	sdelay $0x4  }
0xc4: {  	v4 =	vshrl.u32 v3, $0x3  }
0xc5: {  	v4 =	vmul.u32 $0x30, v4  }
0xc6: {  	v3 =	vand.u32 $0x7, v3  }
0xc7: {  	v3 =	vor.u32 v3, v4  }
0xc8: {  	v4 =	vperm.xlane v3, v0;
	_ =	sdelay $0x1  }
0xc9: {  	v4 =	vadd.s32 v1, v4;
	_ =	sdelay $0x3  }
0xca: {  	v3 =	vperm.xlane v3, v2  }
0xcb: {  	[tilespmem:s7], [sflag:$0x1] =	stream.indirect_vreg.gather [hbm4b:s3+s2], $0x80, v4, vm0, $0xb8;
	[tilespmem:$0x1B400] =	vst v63  }
0xcc: {  	v3 =	vadd.s32 v1, v3  }
0xcd: {  	[tilespmem:s15], [sflag:$0x1] =	stream.indirect_vreg.gather [hbm4b:s5+s2], $0x80, v4, vm0, $0xb8;
	[tilespmem:$0x1B400] =	vst v63  }
0xce: {  	_ = 	snop  }
0xcf: {  	[tilespmem:s16], [sflag:$0x1] =	stream.indirect_vreg.gather [hbm4b:s6+s2], $0x80, v4, vm0, $0xb8;
	[tilespmem:$0x1B400] =	vst v63  }
0xd0: {  	s1 =	simm.s32 $0x4C00  }
0xd1: {  	[tilespmem:s1], [sflag:$0x1] =	stream.indirect_vreg.gather [hbm4b:s3+s2], $0x80, v3, vm0, $0xb8;
	[tilespmem:$0x1B400] =	vst v63  }
0xd2: {  	_ = 	snop  }
0xd3: {  	[tilespmem:s18], [sflag:$0x1] =	stream.indirect_vreg.gather [hbm4b:s5+s2], $0x80, v3, vm0, $0xb8;
	[tilespmem:$0x1B400] =	vst v63  }
0xd4: {  	s17 =	simm.s32 $0x5C00  }
0xd5: {  	[tilespmem:s17], [sflag:$0x1] =	stream.indirect_vreg.gather [hbm4b:s6+s2], $0x80, v3, vm0, $0xb8;
	[tilespmem:$0x1B400] =	vst v63  }
0xd6: {  	v3 =	vld [tilespmem:s13+$0xFFFFFF60];
	_ =	sdelay $0x4  }
0xd7: {  	v57 =	vshrl.u32 v3, $0x3  }
0xd8: {  	v4 =	vmul.u32 $0x30, v57  }
0xd9: {  	v3 =	vand.u32 $0x7, v3  }
0xda: {  	v3 =	vor.u32 v3, v4  }
0xdb: {  	v4 =	vperm.xlane v3, v0;
	_ =	sdelay $0x1  }
0xdc: {  	v4 =	vadd.s32 v1, v4;
	_ =	sdelay $0x3  }
0xdd: {  	v3 =	vperm.xlane v3, v2  }
0xde: {  	[tilespmem:s20], [sflag:$0x1] =	stream.indirect_vreg.gather [hbm4b:s3+s2], $0x80, v4, vm0, $0xb8;
	[tilespmem:$0x1B400] =	vst v63  }
0xdf: {  	s15 =	simm.s32 $0x6C00;
	v3 =	vadd.s32 v1, v3  }
0xe0: {  	[tilespmem:s15], [sflag:$0x1] =	stream.indirect_vreg.gather [hbm4b:s5+s2], $0x80, v4, vm0, $0xb8;
	[tilespmem:$0x1B400] =	vst v63  }
0xe1: {  	_ = 	snop  }
0xe2: {  	[tilespmem:s22], [sflag:$0x1] =	stream.indirect_vreg.gather [hbm4b:s6+s2], $0x80, v4, vm0, $0xb8;
	[tilespmem:$0x1B400] =	vst v63  }
0xe3: {  	s17 =	simm.s32 $0x7C00  }
0xe4: {  	[tilespmem:s17], [sflag:$0x1] =	stream.indirect_vreg.gather [hbm4b:s3+s2], $0x80, v3, vm0, $0xb8;
	[tilespmem:$0x1B400] =	vst v63  }
0xe5: {  	_ = 	snop  }
0xe6: {  	[tilespmem:s24], [sflag:$0x1] =	stream.indirect_vreg.gather [hbm4b:s5+s2], $0x80, v3, vm0, $0xb8;
	[tilespmem:$0x1B400] =	vst v63  }
0xe7: {  	_ = 	snop  }
0xe8: {  	[tilespmem:s25], [sflag:$0x1] =	stream.indirect_vreg.gather [hbm4b:s6+s2], $0x80, v3, vm0, $0xb8;
	[tilespmem:$0x1B400] =	vst v63  }
0xe9: {  	v3 =	vld [tilespmem:s13+$0xFFFFFF70];
	_ =	sdelay $0x4  }
0xea: {  	v58 =	vshrl.u32 v3, $0x3  }
0xeb: {  	v4 =	vmul.u32 $0x30, v58  }
0xec: {  	v3 =	vand.u32 $0x7, v3  }
0xed: {  	v3 =	vor.u32 v3, v4  }
0xee: {  	v4 =	vperm.xlane v3, v0;
	_ =	sdelay $0x1  }
0xef: {  	v4 =	vadd.s32 v1, v4;
	_ =	sdelay $0x3  }
0xf0: {  	v3 =	vperm.xlane v3, v2  }
0xf1: {  	[tilespmem:s26], [sflag:$0x1] =	stream.indirect_vreg.gather [hbm4b:s3+s2], $0x80, v4, vm0, $0xb8;
	[tilespmem:$0x1B400] =	vst v63  }
0xf2: {  	v3 =	vadd.s32 v1, v3  }
0xf3: {  	[tilespmem:s28], [sflag:$0x1] =	stream.indirect_vreg.gather [hbm4b:s5+s2], $0x80, v4, vm0, $0xb8;
	[tilespmem:$0x1B400] =	vst v63  }
0xf4: {  	_ = 	snop  }
0xf5: {  	[tilespmem:s29], [sflag:$0x1] =	stream.indirect_vreg.gather [hbm4b:s6+s2], $0x80, v4, vm0, $0xb8;
	[tilespmem:$0x1B400] =	vst v63  }
0xf6: {  	_ = 	snop  }
0xf7: {  	[tilespmem:s30], [sflag:$0x1] =	stream.indirect_vreg.gather [hbm4b:s3+s2], $0x80, v3, vm0, $0xb8;
	[tilespmem:$0x1B400] =	vst v63  }
0xf8: {  	_ = 	snop  }
0xf9: {  	[tilespmem:s31], [sflag:$0x1] =	stream.indirect_vreg.gather [hbm4b:s5+s2], $0x80, v3, vm0, $0xb8;
	[tilespmem:$0x1B400] =	vst v63  }
0xfa: {  	s15 =	simm.s32 $0xBC00  }
0xfb: {  	[tilespmem:s15], [sflag:$0x1] =	stream.indirect_vreg.gather [hbm4b:s6+s2], $0x80, v3, vm0, $0xb8;
	[tilespmem:$0x1B400] =	vst v63  }
0xfc: {  	v3 =	vld [tilespmem:s13+$0xFFFFFF80];
	_ =	sdelay $0x4  }
0xfd: {  	v59 =	vshrl.u32 v3, $0x3  }
0xfe: {  	v4 =	vmul.u32 $0x30, v59  }
0xff: {  	v3 =	vand.u32 $0x7, v3  }
0x100: {  	v3 =	vor.u32 v3, v4  }
0x101: {  	v4 =	vperm.xlane v3, v0;
	_ =	sdelay $0x1  }
0x102: {  	v4 =	vadd.s32 v1, v4;
	_ =	sdelay $0x3  }
0x103: {  	v3 =	vperm.xlane v3, v2  }
0x104: {  	[tilespmem:s0], [sflag:$0x1] =	stream.indirect_vreg.gather [hbm4b:s3+s2], $0x80, v4, vm0, $0xb8;
	[tilespmem:$0x1B400] =	vst v63  }
0x105: {  	v3 =	vadd.s32 v1, v3  }
0x106: {  	[tilespmem:s4], [sflag:$0x1] =	stream.indirect_vreg.gather [hbm4b:s5+s2], $0x80, v4, vm0, $0xb8;
	[tilespmem:$0x1B400] =	vst v63  }
0x107: {  	_ = 	snop  }
0x108: {  	[tilespmem:s11], [sflag:$0x1] =	stream.indirect_vreg.gather [hbm4b:s6+s2], $0x80, v4, vm0, $0xb8;
	[tilespmem:$0x1B400] =	vst v63  }
0x109: {  	s17 =	simm.s32 $0xDC00  }
0x10a: {  	[tilespmem:s17], [sflag:$0x1] =	stream.indirect_vreg.gather [hbm4b:s3+s2], $0x80, v3, vm0, $0xb8;
	[tilespmem:$0x1B400] =	vst v63  }
0x10b: {  	s15 =	simm.s32 $0xE400  }
0x10c: {  	[tilespmem:s15], [sflag:$0x1] =	stream.indirect_vreg.gather [hbm4b:s5+s2], $0x80, v3, vm0, $0xb8;
	[tilespmem:$0x1B400] =	vst v63  }
0x10d: {  	s17 =	simm.s32 $0xEC00;
	s15 =	rddreg [dreg:$0x4]  }
0x10e: {  	[tilespmem:s17], [sflag:$0x1] =	stream.indirect_vreg.gather [hbm4b:s6+s2], $0x80, v3, vm0, $0xb8;
	[tilespmem:$0x1B400] =	vst v63  }
0x10f: {  	s15 =	sadd.s32 s14, s15;
	s17 =	simm.s32 $0xF400  }
0x110: {  	[hbm4b:s15+s2] =	stream.linear.scatter [tilespmem:s17], [sflag:$0x4], $0xC000, $0x38;
	[tilespmem:$0x1B400] =	vst v63  }
0x111: {  	_ =	swait.ge [sflag:s9], $0xC000  }
0x112: {  	[sflag:s9] =	ssyncset.done $0x0  }
0x113: {  	[sflag:s9] =	ssyncadd.s32 $0xFFFF4000  }
0x114: {  	_ =	swait.ge [sflag:s12], $0xC000  }
0x115: {  	[sflag:s12] =	ssyncset.done $0x0  }
0x116: {  	[sflag:s12] =	ssyncadd.s32 $0xFFFF4000  }
0x117: {  	v3 =	vld [tilespmem:s13+$0xFFFFFFD0];
	_ =	sdelay $0x4  }
0x118: {  	v60 =	vshrl.u32 v3, $0x3  }
0x119: {  	v4 =	vmul.u32 $0x30, v60  }
0x11a: {  	v3 =	vand.u32 $0x7, v3  }
0x11b: {  	v3 =	vor.u32 v3, v4  }
0x11c: {  	v4 =	vperm.xlane v3, v0;
	_ =	sdelay $0x1  }
0x11d: {  	v4 =	vadd.s32 v1, v4;
	_ =	sdelay $0x3  }
0x11e: {  	v3 =	vperm.xlane v3, v2  }
0x11f: {  	[tilespmem:s17], [sflag:$0x2] =	stream.indirect_vreg.gather [hbm4b:s3+s2], $0x80, v4, vm0, $0xb8;
	[tilespmem:$0x1B400] =	vst v63  }
0x120: {  	v3 =	vadd.s32 v1, v3;
	s17 =	simm.s32 $0xFC00  }
0x121: {  	[tilespmem:s17], [sflag:$0x2] =	stream.indirect_vreg.gather [hbm4b:s5+s2], $0x80, v4, vm0, $0xb8;
	[tilespmem:$0x1B400] =	vst v63  }
0x122: {  	s17 =	simm.s32 $0x10400  }
0x123: {  	[tilespmem:s17], [sflag:$0x2] =	stream.indirect_vreg.gather [hbm4b:s6+s2], $0x80, v4, vm0, $0xb8;
	[tilespmem:$0x1B400] =	vst v63  }
0x124: {  	s17 =	simm.s32 $0x10C00  }
0x125: {  	[tilespmem:s17], [sflag:$0x2] =	stream.indirect_vreg.gather [hbm4b:s3+s2], $0x80, v3, vm0, $0xb8;
	[tilespmem:$0x1B400] =	vst v63  }
0x126: {  	s17 =	simm.s32 $0x11400  }
0x127: {  	[tilespmem:s17], [sflag:$0x2] =	stream.indirect_vreg.gather [hbm4b:s5+s2], $0x80, v3, vm0, $0xb8;
	[tilespmem:$0x1B400] =	vst v63  }
0x128: {  	s17 =	simm.s32 $0x11C00  }
0x129: {  	[tilespmem:s17], [sflag:$0x2] =	stream.indirect_vreg.gather [hbm4b:s6+s2], $0x80, v3, vm0, $0xb8;
	[tilespmem:$0x1B400] =	vst v63  }
0x12a: {  	v3 =	vld [tilespmem:s13+$0xFFFFFFE0];
	_ =	sdelay $0x4  }
0x12b: {  	v61 =	vshrl.u32 v3, $0x3  }
0x12c: {  	v4 =	vmul.u32 $0x30, v61  }
0x12d: {  	v3 =	vand.u32 $0x7, v3  }
0x12e: {  	v3 =	vor.u32 v3, v4  }
0x12f: {  	v4 =	vperm.xlane v3, v0;
	_ =	sdelay $0x1  }
0x130: {  	v4 =	vadd.s32 v1, v4;
	_ =	sdelay $0x3  }
0x131: {  	s17 =	simm.s32 $0x12400;
	v3 =	vperm.xlane v3, v2  }
0x132: {  	[tilespmem:s17], [sflag:$0x2] =	stream.indirect_vreg.gather [hbm4b:s3+s2], $0x80, v4, vm0, $0xb8;
	[tilespmem:$0x1B400] =	vst v63  }
0x133: {  	v3 =	vadd.s32 v1, v3;
	s17 =	simm.s32 $0x12C00  }
0x134: {  	[tilespmem:s17], [sflag:$0x2] =	stream.indirect_vreg.gather [hbm4b:s5+s2], $0x80, v4, vm0, $0xb8;
	[tilespmem:$0x1B400] =	vst v63  }
0x135: {  	s17 =	simm.s32 $0x13400  }
0x136: {  	[tilespmem:s17], [sflag:$0x2] =	stream.indirect_vreg.gather [hbm4b:s6+s2], $0x80, v4, vm0, $0xb8;
	[tilespmem:$0x1B400] =	vst v63  }
0x137: {  	s17 =	simm.s32 $0x13C00  }
0x138: {  	[tilespmem:s17], [sflag:$0x2] =	stream.indirect_vreg.gather [hbm4b:s3+s2], $0x80, v3, vm0, $0xb8;
	[tilespmem:$0x1B400] =	vst v63  }
0x139: {  	s17 =	simm.s32 $0x14400  }
0x13a: {  	[tilespmem:s17], [sflag:$0x2] =	stream.indirect_vreg.gather [hbm4b:s5+s2], $0x80, v3, vm0, $0xb8;
	[tilespmem:$0x1B400] =	vst v63  }
0x13b: {  	s17 =	simm.s32 $0x14C00  }
0x13c: {  	[tilespmem:s17], [sflag:$0x2] =	stream.indirect_vreg.gather [hbm4b:s6+s2], $0x80, v3, vm0, $0xb8;
	[tilespmem:$0x1B400] =	vst v63  }
0x13d: {  	v3 =	vld [tilespmem:s13+$0xFFFFFFF0];
	_ =	sdelay $0x4  }
0x13e: {  	v62 =	vshrl.u32 v3, $0x3  }
0x13f: {  	v4 =	vmul.u32 $0x30, v62  }
0x140: {  	v3 =	vand.u32 $0x7, v3  }
0x141: {  	v3 =	vor.u32 v3, v4  }
0x142: {  	v4 =	vperm.xlane v3, v0;
	_ =	sdelay $0x1  }
0x143: {  	v4 =	vadd.s32 v1, v4;
	_ =	sdelay $0x3  }
0x144: {  	s17 =	simm.s32 $0x15400;
	v3 =	vperm.xlane v3, v2  }
0x145: {  	[tilespmem:s17], [sflag:$0x2] =	stream.indirect_vreg.gather [hbm4b:s3+s2], $0x80, v4, vm0, $0xb8;
	[tilespmem:$0x1B400] =	vst v63  }
0x146: {  	v3 =	vadd.s32 v1, v3;
	s17 =	simm.s32 $0x15C00  }
0x147: {  	[tilespmem:s17], [sflag:$0x2] =	stream.indirect_vreg.gather [hbm4b:s5+s2], $0x80, v4, vm0, $0xb8;
	[tilespmem:$0x1B400] =	vst v63  }
0x148: {  	s17 =	simm.s32 $0x16400  }
0x149: {  	[tilespmem:s17], [sflag:$0x2] =	stream.indirect_vreg.gather [hbm4b:s6+s2], $0x80, v4, vm0, $0xb8;
	[tilespmem:$0x1B400] =	vst v63  }
0x14a: {  	s17 =	simm.s32 $0x16C00  }
0x14b: {  	[tilespmem:s17], [sflag:$0x2] =	stream.indirect_vreg.gather [hbm4b:s3+s2], $0x80, v3, vm0, $0xb8;
	[tilespmem:$0x1B400] =	vst v63  }
0x14c: {  	s17 =	simm.s32 $0x17400  }
0x14d: {  	[tilespmem:s17], [sflag:$0x2] =	stream.indirect_vreg.gather [hbm4b:s5+s2], $0x80, v3, vm0, $0xb8;
	[tilespmem:$0x1B400] =	vst v63  }
0x14e: {  	s17 =	simm.s32 $0x17C00  }
0x14f: {  	[tilespmem:s17], [sflag:$0x2] =	stream.indirect_vreg.gather [hbm4b:s6+s2], $0x80, v3, vm0, $0xb8;
	[tilespmem:$0x1B400] =	vst v63  }
0x150: {  	v3 =	vld [tilespmem:s13+$0x0];
	_ =	sdelay $0x4  }
0x151: {  	v63 =	vshrl.u32 v3, $0x3  }
0x152: {  	v4 =	vmul.u32 $0x30, v63  }
0x153: {  	v3 =	vand.u32 $0x7, v3  }
0x154: {  	v3 =	vor.u32 v3, v4  }
0x155: {  	v4 =	vperm.xlane v3, v0;
	_ =	sdelay $0x1  }
0x156: {  	v4 =	vadd.s32 v1, v4;
	_ =	sdelay $0x3  }
0x157: {  	s17 =	simm.s32 $0x18400;
	v3 =	vperm.xlane v3, v2  }
0x158: {  	[tilespmem:s17], [sflag:$0x2] =	stream.indirect_vreg.gather [hbm4b:s3+s2], $0x80, v4, vm0, $0xb8;
	[tilespmem:$0x1B400] =	vst v63  }
0x159: {  	v3 =	vadd.s32 v1, v3;
	s17 =	simm.s32 $0x18C00  }
0x15a: {  	[tilespmem:s17], [sflag:$0x2] =	stream.indirect_vreg.gather [hbm4b:s5+s2], $0x80, v4, vm0, $0xb8;
	[tilespmem:$0x1B400] =	vst v63  }
0x15b: {  	s17 =	simm.s32 $0x19400  }
0x15c: {  	[tilespmem:s17], [sflag:$0x2] =	stream.indirect_vreg.gather [hbm4b:s6+s2], $0x80, v4, vm0, $0xb8;
	[tilespmem:$0x1B400] =	vst v63  }
0x15d: {  	_ = 	snop  }
0x15e: {  	[tilespmem:s19], [sflag:$0x2] =	stream.indirect_vreg.gather [hbm4b:s3+s2], $0x80, v3, vm0, $0xb8;
	[tilespmem:$0x1B400] =	vst v63  }
0x15f: {  	p0 =	sne.s32 s14, $0x90000  }
0x160: {  	[tilespmem:s21], [sflag:$0x2] =	stream.indirect_vreg.gather [hbm4b:s5+s2], $0x80, v3, vm0, $0xb8;
	[tilespmem:$0x1B400] =	vst v63  }
.Ltmp0:
0x161: {  	s17 =	rddreg [dreg:$0x3];
	(pc) =	sbr.rel @p0 .LBB2_2-.Ltmp0, $4  }
0x162: {  	[tilespmem:s23], [sflag:$0x2] =	stream.indirect_vreg.gather [hbm4b:s6+s2], $0x80, v3, vm0, $0xb8;
	[tilespmem:$0x1B400] =	vst v63  }
0x163: {  	s1 =	simm.s32 $0xF400;
	s15 =	sadd.s32 s14, s17  }
0x164: {  	[hbm4b:s15+s2] =	stream.linear.scatter [tilespmem:s7], [sflag:$0x3], $0xC000, $0x38;
	[tilespmem:$0x1B400] =	vst v63  }
0x165: {  	s13 =	sadd.s32 $0x100, s13;
	s14 =	sadd.s32 $0x3000, s14;
	s15 =	simm.s32 $0x3C00  }
0x166: {  	_ =	swait.ge [sflag:s8], $0xC000  }
0x167: {  	[sflag:s8] =	ssyncset.done $0x0  }
0x168: {  	s13 =	rddreg [dreg:$0x7];
	[sflag:s8] =	ssyncadd.s32 $0xFFFF4000  }
0x169: {  	[hbm4b:s13+s2] =	stream.linear.scatter [tilespmem:s1], [sflag:$0x4], $0xC000, $0x38;
	[tilespmem:$0x1B400] =	vst v63  }
0x16a: {  	_ =	swait.ge [sflag:s10], $0xC000  }
0x16b: {  	[sflag:s10] =	ssyncset.done $0x0  }
0x16c: {  	s14 =	simm.s32 $0x4400;
	s16 =	simm.s32 $0x4C00;
	[sflag:s10] =	ssyncadd.s32 $0xFFFF4000  }
0x16d: {  	s17 =	simm.s32 $0x5400;
	s18 =	simm.s32 $0x5C00;
	_ =	swait.ge [sflag:s12], $0xC000  }
0x16e: {  	s19 =	simm.s32 $0x6400;
	s20 =	simm.s32 $0x6C00;
	s0 =	rddreg [dreg:$0x9]  }
0x16f: {  	s21 =	simm.s32 $0x7400;
	s26 =	rddreg [dreg:$0x8];
	s0 =	sadd.s32 $0x1, s0  }
0x170: {  	s22 =	simm.s32 $0x7C00;
	s23 =	simm.s32 $0x8400;
	p0 =	sne.s32 s0, s26  }
.Ltmp1:
0x171: {  	s24 =	simm.s32 $0x8C00;
	s25 =	simm.s32 $0x9400;
	(pc) =	sbr.rel @p0 .LBB2_1-.Ltmp1, $4  }
0x172: {  	s28 =	simm.s32 $0xA400;
	s29 =	simm.s32 $0xAC00;
	s30 =	simm.s32 $0xB400  }
0x173: {  	s7 =	simm.s32 $0xBC00;
	s4 =	simm.s32 $0xCC00;
	[sflag:s12] =	ssyncset.done $0x0  }
0x174: {  	s11 =	simm.s32 $0xD400;
	s31 =	simm.s32 $0x3400;
	[sflag:s12] =	ssyncadd.s32 $0xFFFF4000  }
0x175: {  	[dreg:$0x9] =	wrdreg s0;
	s26 =	simm.s32 $0x9C00;
	s0 =	simm.s32 $0xC400  }
0x176: {  	_ =	sfence.sel $0x180000  }
0x177: {  	[bflag:$0x0] =	sbarrier.arrive $0xFFFF  }
0x178: {  	_ =	strace $0x90000047  }
0x179: {  	s0 =	stileid.u32;
	[bflag:$0x2] =	sbarrier.arrive $0xFFFF  }
0x17a: {  	p0 =	sne.s32 s0, $0x0;
	s0 =	rddreg [dreg:$0x2]  }
0x17b: {  	s0 =	sadd.s32 @!p0 $0x100000, s0  }
0x17c: {  	[sflag:s0] =	ssyncadd.tile.s32 @!p0 $0x1;
	_ =	shalt  }
.Lfunc_end2:
_tile_overlayer_lowered:
.L_overlay_start_2:
0x17d: {  	(tag) =	ssettag $0x2  }
0x17e: {  	s0 =	rddreg [dreg:$0x0];
	s2 =	stileid.u32  }
0x17f: {  	s1 =	rddreg [dreg:$0x1];
	p0 =	sne.s32 s2, $0x0  }
0x180: {  	s3 =	rddreg [dreg:$0x2];
	[bflag:$0x3] =	sbarrier.arrive $0xFFFF;
	s2 =	simm.s32 @!p0 $0x1C05  }
0x181: {  	[timem:s3], [sflag:s2] =	dma.local @!p0 [hbm:s0], s1  }
0x182: {  	s0 =	simm.s32 @!p0 $0x5  }
0x183: {  	_ =	swait.ge @!p0 [sflag:s0], s1  }
0x184: {  	s1 =	ssub.s32 @!p0 $0x0, s1;
	[sflag:s0] =	ssyncset.done @!p0 $0x0  }
0x185: {  	[sflag:s0] =	ssyncadd.s32 @!p0 s1  }
0x186: {  	[bflag:$0x3] =	sbarrier.arrive $0xFFFF  }
0x187: {  	_ =	shalt  }

// kernel: sparse-core-data-format-call.cloned.1.call-start
scs
called_computation_lowered:
.L_overlay_start_0:
0x0: {  	s2 =	sld [smem:$0x3FD9]  }
0x1: {  	s3 =	sld [smem:$0x3FFE];
	_ =	sdelay $0x1  }
0x2: {  	s1 =	srdreg.scid  }
0x3: {  	s0 =	sand.u32 $0x1, s1  }
0x4: {  	s18 =	sshll.u32 s0, $0xA;
	s2 =	sadd.s32 s3, s2  }
0x5: {  	s2 =	sadd.s32 s2, s18  }
0x6: {  	[smem:$0x3FC2] =	sst s2  }
0x7: {  	_ = 	snop  }
0x8: {  	s2 =	sld [smem:$0x3FD0];
	(tm) =	ssettm $0x1  }
0x9: {  	s19 =	sld [smem:$0x3FFB];
	_ =	sdelay $0x3  }
0xa: {  	_ =	strace s19  }
0xb: {  	s3 =	sld [smem:$0x3FFC];
	_ =	sdelay $0x3  }
0xc: {  	_ =	strace s3  }
0xd: {  	s3 =	sld [smem:$0x3FFD];
	_ =	sdelay $0x3  }
0xe: {  	_ =	strace s3  }
0xf: {  	_ =	strace $0x8FFFFFFF  }
0x10: {  	s20 =	sld [smem:$0x3FDB];
	_ =	sdelay $0x1  }
0x11: {  	s4 =	simm.s32 $_scs_section_size  }
0x12: {  	s5 =	simm.s32 $_size__tile_overlayer_lowered;
	s6 =	simm.s32 $_tile_overlayer_lowered  }
0x13: {  	s23 =	simm.s32 $0x1BFF;
	s22 =	sshll.u32 s6, $0x1;
	s3 =	sadd.s32 s4, s20  }
0x14: {  	s7 =	simm.s32 $0x0;
	s21 =	sshll.u32 s5, $0x1;
	s5 =	sadd.s32 s22, s3  }
0x15: {  	[timem:s7], [sflag:s23] =	dma.local [hbm:s5], s21  }
0x16: {  	_ =	swait.ge [sflag:s23], s21  }
0x17: {  	s4 =	ssub.s32 $0x0, s21;
	[sflag:s23] =	ssyncset.done $0x0  }
0x18: {  	[sflag:s23] =	ssyncadd.s32 s4;
	_ =	sdelay $0x1  }
0x19: {  	s24 =	simm.s32 $0x1B8B  }
0x1a: {  	_ =	swait.ge [sflag:s24], $0x1  }
0x1b: {  	[sflag:s24] =	ssyncset.done $0x0  }
0x1c: {  	s26 =	simm.s32 $0x1B8E;
	s25 =	sld [smem:$0x3FFE];
	[sflag:s24] =	ssyncadd.s32 $0xFFFFFFFF  }
0x1d: {  	s27 =	simm.s32 $execute0_lowered;
	[smem:$0x3FD2] =	sst s26  }
0x1e: {  	s5 =	sshll.u32 s27, $0x1;
	_ =	strace $0x80000049;
	[dreg:$0x1] =	wrdreg $0xFFFFFFFF  }
0x1f: {  	s28 =	simm.s32 $_size_execute0_lowered;
	s3 =	sadd.s32 s3, s5;
	[dreg:$0x0] =	wrdreg $0x0  }
0x20: {  	s5 =	sshll.u32 s28, $0x1;
	[dreg:$0x2] =	wrdreg s3  }
0x21: {  	[dreg:$0x3] =	wrdreg s5  }
0x22: {  	[dreg:$0x4] =	wrdreg $0xC0  }
0x23: {  	_ =	task [dreg:s7], $0x5FFFF  }
0x24: {  	[dreg:$0x1] =	wrdreg $0xFFFFFFFF  }
0x25: {  	[dreg:$0x0] =	wrdreg $0x60  }
0x26: {  	[dreg:$0x2] =	wrdreg s25  }
0x27: {  	[dreg:$0x3] =	wrdreg s2  }
0x28: {  	[dreg:$0x4] =	wrdreg $0x9  }
0x29: {  	_ =	task.clear_ibuf [dreg:s7], $0x5FFFF;
	_ =	strace $0x90000049  }
0x2a: {  	s29 =	simm.s32 $0x9;
	_ =	strace $0x8000004B  }
0x2b: {  	_ =	swait.ge [sflag:s29], $0x1  }
0x2c: {  	[sflag:s29] =	ssyncadd.s32 $0xFFFFFFFF  }
0x2d: {  	_ =	strace $0x9000004B  }
0x2e: {  	_ =	sfence  }
0x2f: {  	s30 =	sld [smem:$0x0];
	_ =	sdelay $0x2  }
0x30: {  	s31 =	sshll.u32 s1, $0xD;
	s1 =	sshrl.u32 s1, $0x2  }
0x31: {  	s3 =	sand.u32 $0x4000, s31;
	s1 =	sadd.s32 s1, s30  }
0x32: {  	s0 =	sor.u32 s3, s0;
	s1 =	sshll.u32 s1, $0x11  }
0x33: {  	s0 =	sor.u32 s1, s0  }
0x34: {  	s0 =	sadd.s32 $0x8F2B, s0  }
0x35: {  	[sflag:s0] =	ssyncadd.remote.s32 $0x1  }
0x36: {  	_ =	sfence.sel $0xFFFF  }
0x37: {  	[dreg:$0x0] =	wrdreg $0xFFFFFFFF;
	(pc) =	sbr.abs _section_cstart, $3  }
0x38: {  	[dreg:$0x1] =	wrdreg $0xFFFFFFFF  }
0x39: {  	_ =	task.clear_ibuf [dreg:s7], $0x2FFFF;
	_ =	strace $0x9FFFFFFF  }
0x3a: {  	(tm) =	ssettm $0x7FFFFFFF  }
0x3b: {  	_ =	shalt  }
tec
execute0_lowered:
.L_overlay_start_1:
0x0: {  	(tag) =	ssettag $0x1  }
0x1: {  	s0 =	srdreg.scid;
	s6 =	rddreg [dreg:$0x0]  }
0x2: {  	s3 =	rddreg [dreg:$0x1];
	s1 =	sshll.u32 s0, $0x4  }
0x3: {  	s5 =	simm.s32 $0x1;
	s0 =	stileid.u32;
	s1 =	sand.u32 $0x10, s1  }
0x4: {  	s31 =	simm.s32 $0x2;
	s16 =	simm.s32 $0x0;
	s1 =	sor.u32 s0, s1  }
0x5: {  	s8 =	simm.s32 $0x8000;
	s18 =	simm.s32 $0x0;
	s2 =	sshll.u32 s1, $0x7  }
0x6: {  	s17 =	simm.s32 $0x0;
	s9 =	simm.s32 $0x0;
	s4 =	ssub.s32 $0x1000, s2  }
0x7: {  	s10 =	simm.s32 $0x0;
	s11 =	simm.s32 $0x0;
	s30 =	sand.u32 $0xF80, s4  }
0x8: {  	s12 =	simm.s32 $0x0;
	s13 =	simm.s32 $0x0;
	p0 =	sne.s32 s30, $0x0  }
.Ltmp0:
0x9: {  	s7 =	sshrl.u32 s4, $0xC;
	s5 =	simm.s32 @!p0 $0x0;
	(pc) =	sbr.rel .LBB1_1-.Ltmp0, $4  }
0xa: {  	s15 =	simm.s32 $0x0;
	s1 =	rddreg [dreg:$0x2];
	s5 =	sadd.s32 s5, s7  }
0xb: {  	_ =	strace $0x8000004A;
	s4 =	simm.s32 $0x1;
	s5 =	smul.u32 $0x190, s5  }
0xc: {  	s6 =	sadd.s32 $0x1400, s6;
	s14 =	smov.u32 s2;
	[sflag:s4] =	ssyncpa.u1 $0x0  }
0xd: {  	[sflag:s31] =	ssyncpa.u1 $0x0;
	p0 =	por $0x0, $0x0;
	s7 =	sor.u32 $0x1, s5  }
.LBB1_4:
0xe: {  	s23 =	sshra.s32 s23, $0x2;
	s30 =	sshll.u32 s9, $0xC  }
0xf: {  	p1 =	sgt.s32 s10, $0xC7;
	s24 =	smov.u32 s10;
	s25 =	sshra.s32 s10, $0x1F  }
0x10: {  	s26 =	sshll.u32 s11, $0x3;
	s28 =	smov.u32 s11;
	s29 =	sshra.s32 s11, $0x1F  }
0x11: {  	s22 =	sadd.s32 s23, s22;
	s24 =	simm.s32 @!p1 $0xC7;
	s25 =	sand.u32 s25, s10  }
0x12: {  	s23 =	sand.u32 $0xFFFF8000, s30;
	s27 =	sand.u32 $0xFFFFFC00, s26;
	p1 =	sgt.s32 s9, $0x40  }
0x13: {  	s31 =	sand.u32 s29, s11;
	s29 =	sshll.u32 s9, $0x7;
	s30 =	sshra.s32 s9, $0x1F  }
0x14: {  	[tilespmem:s21+$0x2040 ss:$0x81] =	vst.msk $0xffff, v4;
	s24 =	ssub.s32 s24, s25;
	s23 =	sadd.s32 s27, s23;
	s27 =	smov.u32 s9  }
0x15: {  	[tilespmem:s21+$0x2850 ss:$0x81] =	vst.msk $0xffff, v3;
	s29 =	sand.u32 $0x380, s29;
	s25 =	sadd.s32 $0xFFFFFF39, s24;
	s27 =	simm.s32 @!p1 $0x40  }
0x16: {  	v5 =	vld [tilespmem:s20+$0xFFFFFFD0];
	[tilespmem:s21+$0x3060 ss:$0x81] =	vst.msk $0xffff, v2;
	p1 =	sgt.s32 s11, $0xF80;
	s23 =	sshrl.u32 s23, $0xC;
	s24 =	ssub.s32 $0xC8, s24  }
0x17: {  	v58 =	vld [tilespmem:s20+$0xFFFFFFE0];
	[tilespmem:s21+$0x0 ss:$0x81] =	vst.msk $0xffff, v1;
	s28 =	simm.s32 @!p1 $0xF80;
	p1 =	sgt.s32 s25, $0x0;
	s21 =	smulhi.u32 $0x1555556, s23  }
0x18: {  	v59 =	vld [tilespmem:s20+$0xFFFFFFF0];
	s25 =	ssub.s32 s28, s31;
	s28 =	sand.u32 s30, s9;
	s24 =	simm.s32 @p1 $0x0  }
0x19: {  	v60 =	vld [tilespmem:s20+$0x0];
	s27 =	ssub.s32 s27, s28;
	s31 =	sadd.s32 $0xFFFFF080, s25;
	s25 =	ssub.s32 $0x1000, s25  }
0x1a: {  	v61 =	vld [tilespmem:s20+$0x10];
	[tilespmem:s22+$0x3870 ss:$0x81] =	vst.msk $0xffff, v0;
	s21 =	smul.u32 $0xC0, s21;
	s28 =	sand.u32 $0x7, s11;
	p1 =	sgt.s32 s31, $0x7F  }
0x1b: {  	v62 =	vld [tilespmem:s20+$0x20];
	[tilespmem:s22+$0x810 ss:$0x81] =	vst.msk $0xffff, v5;
	s30 =	sadd.s32 $0xFFFFFFC0, s27;
	s31 =	sand.u32 $0x78, s11;
	s25 =	simm.s32 @p1 $0x0  }
0x1c: {  	v63 =	vld [tilespmem:s20+$0xFFFFFFC0];
	[tilespmem:s22+$0x1020 ss:$0x81] =	vst.msk $0xffff, v58;
	p1 =	sgt.s32 s30, $0x7F;
	s30 =	sand.u32 $0xC00, s26;
	s24 =	smul.u32 s25, s24  }
0x1d: {  	[tilespmem:s22+$0x1830 ss:$0x81] =	vst.msk $0xffff, v59;
	s26 =	ssub.s32 $0xC0, s27;
	s20 =	sor.u32 s31, s30;
	s31 =	smul.u32 $0x18000, s10  }
0x1e: {  	[tilespmem:s22+$0x2040 ss:$0x81] =	vst.msk $0xffff, v60;
	s21 =	ssub.s32 s23, s21;
	s26 =	simm.s32 @p1 $0x0;
	s20 =	sor.u32 s29, s20  }
0x1f: {  	[tilespmem:s22+$0x2850 ss:$0x81] =	vst.msk $0xffff, v61;
	s26 =	smul.u32 s26, s24;
	s20 =	sshrl.u32 s20, $0x3;
	s27 =	sadd.s32 s3, s31  }
0x20: {  	[tilespmem:s22+$0x3060 ss:$0x81] =	vst.msk $0xffff, v62;
	s21 =	sshll.u32 s21, $0x9;
	s29 =	sshll.u32 s28, $0x12;
	s20 =	sadd.s32 s20, s27  }
0x21: {  	[tilespmem:s22+$0x0 ss:$0x81] =	vst.msk $0xffff, v63;
	s31 =	sor.u32 $0x400, s29;
	s30 =	sand.u32 $0x3FFFFFFF, s26;
	s20 =	sadd.s32 s21, s20  }
0x22: {  	[hbm4b:s20+s31] =	stream.strided.scatter [tilespmem:s19], [sflag:$0x2], s30, s8, s31, $0x20;
	[tilespmem:$0x10100] =	vst v63  }
.LBB1_5:
0x23: {  	p1 =	slt.u32 s15, $0x2  }
0x24: {  	p2 =	sgt.s32 @!p1 s18, $0xC7  }
0x25: {  	s19 =	smov.u32 s18;
	s20 =	sshra.s32 @!p1 s18, $0x1F;
	p2 =	por !p2, p1  }
0x26: {  	s18 =	sand.u32 @!p1 s20, s18;
	s19 =	simm.s32 @p2 $0xC7  }
0x27: {  	p3 =	sgt.s32 @!p1 s16, $0x40;
	s18 =	ssub.s32 @!p1 s19, s18  }
0x28: {  	p4 =	sgt.s32 @!p1 s17, $0xF80;
	s21 =	sshra.s32 @!p1 s17, $0x1F;
	s19 =	sadd.s32 @!p1 $0xFFFFFF39, s18  }
0x29: {  	s20 =	smov.u32 s16;
	p2 =	sgt.s32 @!p1 s19, $0x0;
	s19 =	sshra.s32 @!p1 s16, $0x1F  }
0x2a: {  	p4 =	por !p4, p1;
	s16 =	sand.u32 @!p1 s19, s16;
	s19 =	smov.u32 s17  }
0x2b: {  	p3 =	por !p3, p1;
	s17 =	sand.u32 @!p1 s21, s17;
	s19 =	simm.s32 @p4 $0xF80  }
0x2c: {  	s20 =	simm.s32 @p3 $0x40;
	s18 =	ssub.s32 @!p1 $0xC8, s18;
	s17 =	ssub.s32 @!p1 s19, s17  }
0x2d: {  	p2 =	por !p2, p1;
	s16 =	ssub.s32 @!p1 s20, s16;
	s20 =	sadd.s32 @!p1 $0xFFFFF080, s17  }
0x2e: {  	s18 =	simm.s32 @!p2 $0x0;
	p3 =	sgt.s32 @!p1 s20, $0x7F  }
0x2f: {  	s19 =	sadd.s32 @!p1 $0xFFFFFFC0, s16;
	s17 =	ssub.s32 @!p1 $0x1000, s17;
	p3 =	por !p3, p1  }
0x30: {  	p2 =	sgt.s32 @!p1 s19, $0x7F;
	s19 =	sadd.s32 $0x80, s12;
	s17 =	simm.s32 @!p3 $0x0  }
0x31: {  	p3 =	sgt.s32 s19, $0xBF;
	s17 =	smul.u32 @!p1 s17, s18;
	s18 =	simm.s32 $0x1  }
0x32: {  	s16 =	ssub.s32 @!p1 $0xC0, s16;
	p2 =	por !p2, p1;
	s18 =	simm.s32 @!p3 $0x0  }
0x33: {  	s21 =	smov.u32 s14;
	s16 =	simm.s32 @!p2 $0x0;
	s20 =	sadd.s32 s18, s13  }
0x34: {  	s16 =	smul.u32 @!p1 s16, s17;
	s17 =	sadd.s32 $0x1000, s14;
	p2 =	sgt.s32 s20, $0xC7  }
0x35: {  	p0 =	por !p0, !p0;
	s22 =	simm.s32 @!p1 $0x2;
	s21 =	smov.u32 @p2 s17  }
0x36: {  	s19 =	simm.s32 @p3 $0x0;
	s20 =	simm.s32 @p2 $0x0;
	p2 =	sgt.s32 s21, $0xFFF  }
0x37: {  	s18 =	smov.u32 s10;
	s21 =	smov.u32 @p2 s2;
	p2 =	sne.s32 s15, s7  }
.Ltmp1:
0x38: {  	s10 =	smov.u32 s13;
	s16 =	sand.u32 @!p1 $0x3FFFFFFF, s16;
	(pc) =	sbr.rel @!p2 .LBB1_6-.Ltmp1, $4  }
0x39: {  	s17 =	smov.u32 s11;
	s11 =	smov.u32 s14;
	_ =	swait.ge @!p1 [sflag:s22], s16  }
0x3a: {  	s23 =	ssub.s32 @!p1 $0x0, s16;
	s16 =	smov.u32 s9;
	s9 =	smov.u32 s12  }
0x3b: {  	s12 =	smov.u32 s19;
	s13 =	smov.u32 s20;
	[sflag:s22] =	ssyncset.done @!p1 $0x0  }
0x3c: {  	s15 =	sadd.s32 $0x1, s15;
	[sflag:s22] =	ssyncadd.s32 @!p1 s23;
	s14 =	smov.u32 s21  }
.LBB1_1:
0x3d: {  	p1 =	sge.u32 s15, s5  }
0x3e: {  	s19 =	sshll.u32 @!p1 s13, $0x8;
	s20 =	sshll.u32 @!p1 s12, $0x3  }
0x3f: {  	s21 =	sshll.u32 @!p1 s13, $0x7;
	s19 =	sand.u32 @!p1 $0xFFFFF800, s19;
	s20 =	sand.u32 @!p1 $0xFFFFFC00, s20  }
0x40: {  	s19 =	sadd.s32 @!p1 s19, s20;
	s20 =	sand.u32 @!p1 $0x300, s21  }
0x41: {  	s19 =	sor.u32 @!p1 s20, s19  }
0x42: {  	s19 =	sshrl.u32 @!p1 s19, $0x8  }
0x43: {  	s31 =	sadd.s32 $0xFFFFFFFF, s15;
	s20 =	smulhi.u32 @!p1 $0x147AE15, s19  }
0x44: {  	s22 =	sxor.u32 @!p1 $0xFFFFFFFF, s15;
	s23 =	sand.u32 @!p1 $0x78, s12;
	s24 =	smul.u32 @!p1 $0x1900, s14  }
0x45: {  	s22 =	sshll.u32 @!p1 s22, $0xE;
	s21 =	sand.u32 @!p1 $0x80, s21;
	s20 =	smul.u32 @!p1 $0xC8, s20  }
0x46: {  	s22 =	sand.u32 @!p1 $0x4000, s22;
	s21 =	sor.u32 @!p1 s23, s21;
	s23 =	sand.u32 @!p1 $0x7, s12  }
0x47: {  	s19 =	ssub.s32 @!p1 s19, s20;
	s20 =	sshrl.u32 @!p1 s21, $0x3;
	s21 =	sadd.s32 @!p1 s6, s24  }
0x48: {  	s19 =	sshll.u32 @!p1 s19, $0x5;
	s20 =	sadd.s32 @!p1 s20, s21;
	s21 =	sshll.u32 @!p1 s23, $0x12  }
0x49: {  	s19 =	sadd.s32 @!p1 s19, s20;
	s20 =	sor.u32 @!p1 $0x80, s21;
	s21 =	simm.s32 @!p1 $0xC800  }
0x4a: {  	[tilespmem:s22], [sflag:$0x1] =	stream.strided.gather @!p1 [hbm4b:s19+s20], $0x4000, s21, s20, $0x38;
	[tilespmem:$0x10100] =	vst v63  }
0x4b: {  	p1 =	sge.u32 s31, s5  }
.Ltmp2:
0x4c: {  	_ = 	snop;
	(pc) =	sbr.rel @p1 .LBB1_5-.Ltmp2, $1  }
0x4d: {  	_ =	sdelay $0x3  }
0x4e: {  	s19 =	simm.s32 $0x1  }
0x4f: {  	_ =	swait.ge [sflag:s4], $0x4000;
	s19 =	simm.s32 @!p0 $0x0  }
0x50: {  	[sflag:s4] =	ssyncset.done $0x0;
	s20 =	sshll.u32 s19, $0xE  }
0x51: {  	[sflag:s4] =	ssyncadd.s32 $0xFFFFC000;
	s20 =	sor.u32 $0x40, s20  }
0x52: {  	s19 =	smul.u32 $0x10200, s19;
	v0 =	vld [tilespmem:s20+$0x30]  }
0x53: {  	v1 =	vld [tilespmem:s20+$0xFFFFFFD0]  }
0x54: {  	s19 =	sshrl.u32 s19, $0x2;
	v5 =	vld [tilespmem:s20+$0xFFFFFFE0]  }
0x55: {  	v6 =	vld [tilespmem:s20+$0xFFFFFFF0];
	s22 =	sor.u32 $0x8000, s19  }
0x56: {  	s31 =	sand.u32 $0x1, s15;
	v4 =	vld [tilespmem:s20+$0x0];
	s21 =	sadd.s32 $0x0, s22  }
0x57: {  	v3 =	vld [tilespmem:s20+$0x10];
	s19 =	smul.u32 $0x10200, s31;
	[tilespmem:s21+$0x3870 ss:$0x81] =	vst.msk $0xffff, v0  }
0x58: {  	v2 =	vld [tilespmem:s20+$0x20];
	[tilespmem:s21+$0x810 ss:$0x81] =	vst.msk $0xffff, v1  }
0x59: {  	s19 =	sshrl.u32 s19, $0x2;
	v1 =	vld [tilespmem:s20+$0xFFFFFFC0];
	[tilespmem:s21+$0x1020 ss:$0x81] =	vst.msk $0xffff, v5;
	s20 =	sadd.s32 $0x80, s20  }
0x5a: {  	s23 =	simm.s32 $0x4;
	s24 =	simm.s32 $0x8;
	s19 =	sor.u32 $0x8000, s19;
	[tilespmem:s21+$0x1830 ss:$0x81] =	vst.msk $0xffff, v6;
	v0 =	vld [tilespmem:s20+$0x30]  }
.LBB1_3:
0x5b: {  	p1 =	sne.s32 s24, $0x1FC;
	v5 =	vld [tilespmem:s20+$0xFFFFFFD0];
	[tilespmem:s21+$0x2040 ss:$0x81] =	vst.msk $0xffff, v4  }
0x5c: {  	v6 =	vld [tilespmem:s20+$0xFFFFFFE0];
	[tilespmem:s21+$0x2850 ss:$0x81] =	vst.msk $0xffff, v3  }
0x5d: {  	s25 =	sshra.s32 s23, $0x2;
	s23 =	smov.u32 s24;
	v7 =	vld [tilespmem:s20+$0xFFFFFFF0];
	[tilespmem:s21+$0x3060 ss:$0x81] =	vst.msk $0xffff, v2  }
.Ltmp3:
0x5e: {  	v4 =	vld [tilespmem:s20+$0x0];
	[tilespmem:s21+$0x0 ss:$0x81] =	vst.msk $0xffff, v1;
	s21 =	sadd.s32 s25, s22;
	(pc) =	sbr.rel @p1 .LBB1_3-.Ltmp3, $4  }
0x5f: {  	v3 =	vld [tilespmem:s20+$0x10];
	[tilespmem:s21+$0x3870 ss:$0x81] =	vst.msk $0xffff, v0  }
0x60: {  	[tilespmem:s21+$0x810 ss:$0x81] =	vst.msk $0xffff, v5;
	v2 =	vld [tilespmem:s20+$0x20]  }
0x61: {  	v1 =	vld [tilespmem:s20+$0xFFFFFFC0];
	[tilespmem:s21+$0x1020 ss:$0x81] =	vst.msk $0xffff, v6;
	s20 =	sadd.s32 $0x80, s20  }
0x62: {  	s24 =	sadd.s32 $0x4, s24;
	v0 =	vld [tilespmem:s20+$0x30];
	[tilespmem:s21+$0x1830 ss:$0x81] =	vst.msk $0xffff, v7  }
.Ltmp4:
0x63: {  	_ = 	snop;
	(pc) =	sbr.rel .LBB1_4-.Ltmp4, $1  }
0x64: {  	_ =	sdelay $0x3  }
.LBB1_6:
0x65: {  	_ =	sfence.sel $0x180000  }
0x66: {  	s2 =	simm.s32 $0x1;
	[bflag:$0x0] =	sbarrier.arrive $0xFFFF  }
0x67: {  	s31 =	simm.s32 $0x2;
	[sflag:s2] =	ssyncpa.u1 $0x1  }
0x68: {  	[sflag:s31] =	ssyncpa.u1 $0x1  }
0x69: {  	p0 =	sne.s32 s0, $0x0;
	_ =	strace $0x9000004A  }
0x6a: {  	s0 =	sadd.s32 @!p0 $0x100000, s1;
	[bflag:$0x2] =	sbarrier.arrive $0xFFFF  }
0x6b: {  	[sflag:s0] =	ssyncadd.tile.s32 @!p0 $0x1;
	_ =	shalt  }
.Lfunc_end1:
_tile_overlayer_lowered:
.L_overlay_start_2:
0x6c: {  	(tag) =	ssettag $0x2  }
0x6d: {  	s0 =	rddreg [dreg:$0x0];
	s2 =	stileid.u32  }
0x6e: {  	s1 =	rddreg [dreg:$0x1];
	p0 =	sne.s32 s2, $0x0  }
0x6f: {  	s3 =	rddreg [dreg:$0x2];
	[bflag:$0x3] =	sbarrier.arrive $0xFFFF;
	s2 =	simm.s32 @!p0 $0x1C01  }
0x70: {  	[timem:s3], [sflag:s2] =	dma.local @!p0 [hbm:s0], s1  }
0x71: {  	s0 =	simm.s32 @!p0 $0x1  }
0x72: {  	_ =	swait.ge @!p0 [sflag:s0], s1  }
0x73: {  	s1 =	ssub.s32 @!p0 $0x0, s1;
	[sflag:s0] =	ssyncset.done @!p0 $0x0  }
0x74: {  	[sflag:s0] =	ssyncadd.s32 @!p0 s1  }
0x75: {  	[bflag:$0x3] =	sbarrier.arrive $0xFFFF  }
0x76: {  	_ =	shalt  }

</sc_bundles>
